<compile_context>
chip_gen: v7x
topology: tpu7x:2x2x1
jax: 0.10.2.dev20260603
libtpu: 0.0.44.dev20260713+nightly
codegen_flags: <defaults>
</compile_context>

<pallas_src>
import functools

import jax
import jax.numpy as jnp
from jax import lax
from jax.experimental import pallas as pl
from jax.experimental.pallas import tpu as pltpu
from jax.experimental.pallas import tpu_sc as plsc

_NC, _NS = 2, 16
_NW = _NC * _NS


def _film_tables_kernel(mt_ref, ws_ref, wh_ref, bs_ref, bh_ref,
                        scale_ref, shift_ref):
    mt = mt_ref[...]
    dn = (((1,), (1,)), ((), ()))
    scale_ref[...] = lax.dot_general(
        mt, ws_ref[...], dn, preferred_element_type=jnp.float32) + bs_ref[...]
    shift_ref[...] = lax.dot_general(
        mt, wh_ref[...], dn, preferred_element_type=jnp.float32) + bh_ref[...]


def _make_sc_row_gather(B, D, dtype, chunk, with_aux):
    rows_per_w = B // _NW
    nchunks = rows_per_w // chunk
    mesh = plsc.VectorSubcoreMesh(core_axis_name="c", subcore_axis_name="s")
    out_type = [jax.ShapeDtypeStruct((B, D), dtype)]
    scratch = [pltpu.VMEM((chunk,), jnp.int32),
               pltpu.VMEM((chunk, D), dtype),
               pltpu.SemaphoreType.DMA]
    if with_aux:
        out_type.append(jax.ShapeDtypeStruct((B,), jnp.int32))
        scratch.append(pltpu.VMEM((chunk,), jnp.int32))

    @functools.partial(pl.kernel, mesh=mesh, out_type=tuple(out_type),
                       scratch_types=scratch)
    def gather(*refs):
        if with_aux:
            table_hbm, idx_hbm, aux_hbm, out_hbm, aux_out_hbm, \
                idx_v, rows_v, sem, aux_v = refs
        else:
            table_hbm, idx_hbm, out_hbm, idx_v, rows_v, sem = refs
        wid = lax.axis_index("s") * _NC + lax.axis_index("c")
        base = wid * rows_per_w
        for c in range(nchunks):
            off = base + c * chunk
            pltpu.sync_copy(idx_hbm.at[pl.ds(off, chunk)], idx_v)
            pltpu.async_copy(table_hbm.at[idx_v], rows_v, sem).wait()
            pltpu.sync_copy(rows_v, out_hbm.at[pl.ds(off, chunk)])
            if with_aux:
                pltpu.async_copy(aux_hbm.at[idx_v], aux_v, sem).wait()
                pltpu.sync_copy(aux_v, aux_out_hbm.at[pl.ds(off, chunk)])

    return gather


def _grouped_kernel(s_ref, x_ref, mode_ref, w0_ref, w1_ref, w2_ref,
                    b0_ref, b1_ref, b2_ref, st_ref, ht_ref, out_ref):
    i = pl.program_id(0)
    BM = x_ref.shape[0]
    d1 = w1_ref.shape[1]
    d2 = w2_ref.shape[1]
    n0 = s_ref[0]
    n01 = s_ref[1]
    lo = i * BM
    row = lo + lax.broadcasted_iota(jnp.int32, (BM, 1), 0)
    x = x_ref[...]
    dn = (((1,), (1,)), ((), ()))

    out_ref[...] = jnp.zeros_like(out_ref)

    @pl.when(n0 > lo)
    def _():
        m = (row < n0).astype(jnp.float32)
        p = lax.dot_general(x, w0_ref[...], dn,
                            preferred_element_type=jnp.float32)
        out_ref[...] += m * (p + b0_ref[...])

    @pl.when((n01 > lo) & (n0 < lo + BM))
    def _():
        m = ((row >= n0) & (row < n01)).astype(jnp.float32)
        p = lax.dot_general(x[:, :d1], w1_ref[...], dn,
                            preferred_element_type=jnp.float32)
        out_ref[...] += m * (p + b1_ref[...])

    @pl.when(n01 < lo + BM)
    def _():
        m = (row >= n01).astype(jnp.float32)
        p = lax.dot_general(x[:, :d2], w2_ref[...], dn,
                            preferred_element_type=jnp.float32)
        out_ref[...] += m * (p + b2_ref[...])

    modes = mode_ref[0, 0, :]
    n_modes = st_ref.shape[0]
    oh = (modes[:, None] == lax.broadcasted_iota(
        jnp.int32, (BM, n_modes), 1)).astype(jnp.float32)
    scale = jnp.dot(oh, st_ref[...], preferred_element_type=jnp.float32)
    shift = jnp.dot(oh, ht_ref[...], preferred_element_type=jnp.float32)
    out_ref[...] = out_ref[...] * (1.0 + scale) + shift


def kernel(features, modality_ids, mode_ids, W0, b0, W1, b1, W2, b2,
           mode_table, Ws, bs, Wh, bh):
    B, D = features.shape
    L = W0.shape[0]
    n_modes = mode_table.shape[0]

    scale_t, shift_t = pl.pallas_call(
        _film_tables_kernel,
        out_shape=(jax.ShapeDtypeStruct((n_modes, L), jnp.float32),
                   jax.ShapeDtypeStruct((n_modes, L), jnp.float32)),
    )(mode_table, Ws, Wh, bs.reshape(1, L), bh.reshape(1, L))

    is0 = modality_ids == 0
    is1 = modality_ids == 1
    n0 = jnp.sum(is0).astype(jnp.int32)
    n01 = jnp.sum(modality_ids < 2).astype(jnp.int32)
    c0 = jnp.cumsum(is0.astype(jnp.int32))
    c1 = jnp.cumsum(is1.astype(jnp.int32))
    c2 = jnp.cumsum((modality_ids == 2).astype(jnp.int32))
    pos = jnp.where(is0, c0 - 1,
                    jnp.where(is1, n0 + c1 - 1, n01 + c2 - 1)).astype(jnp.int32)
    iota = lax.iota(jnp.int32, B)
    order = jnp.zeros((B,), jnp.int32).at[pos].set(iota)
    sizes = jnp.stack([n0, n01])

    xi = lax.bitcast_convert_type(
        features.astype(jnp.bfloat16).reshape(B, D // 2, 2), jnp.int32)
    xs_i, mode_s = _make_sc_row_gather(B, D // 2, jnp.int32, 64, True)(
        xi, order, mode_ids)
    xs = lax.bitcast_convert_type(xs_i, jnp.bfloat16).reshape(B, D)

    BM = 256
    NM = B // BM
    grid_spec = pltpu.PrefetchScalarGridSpec(
        num_scalar_prefetch=1,
        grid=(NM,),
        in_specs=[
            pl.BlockSpec((BM, D), lambda i, s: (i, 0)),
            pl.BlockSpec((1, 1, BM), lambda i, s: (i, 0, 0)),
            pl.BlockSpec((L, D), lambda i, s: (0, 0)),
            pl.BlockSpec((L, W1.shape[1]), lambda i, s: (0, 0)),
            pl.BlockSpec((L, W2.shape[1]), lambda i, s: (0, 0)),
            pl.BlockSpec((1, L), lambda i, s: (0, 0)),
            pl.BlockSpec((1, L), lambda i, s: (0, 0)),
            pl.BlockSpec((1, L), lambda i, s: (0, 0)),
            pl.BlockSpec((n_modes, L), lambda i, s: (0, 0)),
            pl.BlockSpec((n_modes, L), lambda i, s: (0, 0)),
        ],
        out_specs=pl.BlockSpec((BM, L), lambda i, s: (i, 0)),
    )
    ys = pl.pallas_call(
        _grouped_kernel,
        grid_spec=grid_spec,
        out_shape=jax.ShapeDtypeStruct((B, L), jnp.float32),
    )(sizes, xs, mode_s.reshape(NM, 1, BM),
      W0.astype(jnp.bfloat16), W1.astype(jnp.bfloat16),
      W2.astype(jnp.bfloat16),
      b0.reshape(1, L), b1.reshape(1, L), b2.reshape(1, L), scale_t, shift_t)

    out = _make_sc_row_gather(B, L, jnp.float32, 32, False)(ys, pos)
    return out[0] if isinstance(out, (tuple, list)) else out

# --- scband reference (transcript-rebuilt; emitter-appended) ---
"""Pipeline reference for scband-action-composer-1778116460850 (READ-ONLY COPY).

The authoritative reference and input builder live on the scoring server;
editing this copy changes nothing except your own understanding.
"""

import jax, jax.numpy as jnp
import numpy as np

B = 4096
PROTEIN_DIM = 2048
CHEMICAL_DIM = 1024
DNA_DIM = 512
LATENT_DIM = 2048
NUM_MODES = 64
MODE_DIM = 512


def setup_inputs(seed: int = 0) -> dict:
    key = jax.random.key(seed)
    ks = jax.random.split(key, 16)
    features = jax.random.normal(ks[0], (B, PROTEIN_DIM), dtype=jnp.float32)
    modality_ids = jax.random.randint(ks[1], (B,), 0, 3, dtype=jnp.int64 if jax.config.jax_enable_x64 else jnp.int32).astype(jnp.int32)
    mode_ids = jax.random.randint(ks[2], (B,), 0, NUM_MODES).astype(jnp.int32)
    def lin(kw, kb, out_d, in_d):
        s = 1.0 / np.sqrt(in_d)
        W = jax.random.uniform(kw, (out_d, in_d), minval=-s, maxval=s, dtype=jnp.float32)
        b = jax.random.uniform(kb, (out_d,), minval=-s, maxval=s, dtype=jnp.float32)
        return W, b
    W0, b0 = lin(ks[3], ks[4], LATENT_DIM, PROTEIN_DIM)
    W1, b1 = lin(ks[5], ks[6], LATENT_DIM, CHEMICAL_DIM)
    W2, b2 = lin(ks[7], ks[8], LATENT_DIM, DNA_DIM)
    mode_table = jax.random.normal(ks[9], (NUM_MODES, MODE_DIM), dtype=jnp.float32)
    Ws = jax.random.normal(ks[10], (LATENT_DIM, MODE_DIM), dtype=jnp.float32) * 0.02
    bs = jnp.zeros((LATENT_DIM,), dtype=jnp.float32)
    Wh = jax.random.normal(ks[11], (LATENT_DIM, MODE_DIM), dtype=jnp.float32) * 0.02
    bh = jnp.zeros((LATENT_DIM,), dtype=jnp.float32)
    return {"features": features, "modality_ids": modality_ids, "mode_ids": mode_ids,
            "W0": W0, "b0": b0, "W1": W1, "b1": b1, "W2": W2, "b2": b2,
            "mode_table": mode_table, "Ws": Ws, "bs": bs, "Wh": Wh, "bh": bh}


def reference(features, modality_ids, mode_ids, W0, b0, W1, b1, W2, b2, mode_table, Ws, bs, Wh, bh):
    # Per-modality expert projectors, applied to a prefix slice of the feature vector.
    p0 = features[:, :W0.shape[1]] @ W0.T + b0
    p1 = features[:, :W1.shape[1]] @ W1.T + b1
    p2 = features[:, :W2.shape[1]] @ W2.T + b2
    m0 = (modality_ids == 0)[:, None].astype(features.dtype)
    m1 = (modality_ids == 1)[:, None].astype(features.dtype)
    m2 = (modality_ids == 2)[:, None].astype(features.dtype)
    content_latents = m0 * p0 + m1 * p1 + m2 * p2
    # FiLM conditioning from mode embedding
    mode_vecs = jnp.take(mode_table, mode_ids, axis=0)
    scale = mode_vecs @ Ws.T + bs
    shift = mode_vecs @ Wh.T + bh
    action_vector = content_latents * (1.0 + scale) + shift
    return action_vector

if __name__ == "__main__":
    import jax
    _d = setup_inputs()
    print(jax.jit(kernel)(*tuple(_d.values())))

</pallas_src>

<mosaic_0001>
#map = affine_map<(d0, d1) -> (0, 0)>
#map1 = affine_map<(d0, d1) -> (0)>
module attributes {stable_mosaic.version = 14 : i64} {
  func.func @gather(%arg0: i32, %arg1: i32, %arg2: memref<4096x2048xf32, #tpu.memory_space<hbm>>, %arg3: memref<4096xi32, #tpu.memory_space<hbm>>, %arg4: memref<4096x2048xf32, #tpu.memory_space<hbm>>, %arg5: memref<32xi32, #tpu.memory_space<vmem>>, %arg6: memref<32x2048xf32, #tpu.memory_space<vmem>>, %arg7: memref<!tpu.dma_semaphore, #tpu.memory_space<semaphore_mem>>) attributes {dimension_semantics = [#tpu.dimension_semantics<core_parallel>, #tpu.dimension_semantics<subcore_parallel>], iteration_bounds = array<i64: 2, 16>, scalar_prefetch = 0 : i64, scratch_operands = 3 : i64, tpu.core_type = #tpu.core_type<sc_vector_subcore>, window_params = [{transform_indices = #map}, {transform_indices = #map1}, {transform_indices = #map}]} {
    %mul3A = arith.constant 2 : i32
    %mul3A_0 = arith.muli %arg1, %mul3A : i32
    %add3A = arith.addi %mul3A_0, %arg0 : i32
    %mul3A_1 = arith.constant 128 : i32
    %mul3A_2 = arith.muli %add3A, %mul3A_1 : i32
    %add3A_3 = arith.constant 0 : i32
    %add3A_4 = arith.addi %mul3A_2, %add3A_3 : i32
    "tpu.region"() ({
      %run_scoped3A = tpu.sem_alloc : memref<!tpu.dma_semaphore, #tpu.memory_space<semaphore_mem>>
      %dma_start3A_33 = tpu.memref_slice %arg3[%add3A_4] : memref<4096xi32, #tpu.memory_space<hbm>> -> memref<32xi32, #tpu.memory_space<hbm>>
      %dma_start3A_34 = tpu.memref_slice %arg3[%add3A_4] : memref<4096xi32, #tpu.memory_space<hbm>> -> memref<32xi32, #tpu.memory_space<hbm>>
      tpu.enqueue_dma source(%dma_start3A_34 : memref<32xi32, #tpu.memory_space<hbm>>) target(%arg5 : memref<32xi32, #tpu.memory_space<vmem>>) target_semaphore(%run_scoped3A : memref<!tpu.dma_semaphore, #tpu.memory_space<semaphore_mem>>)
      %dma_wait3A_35 = tpu.memref_slice %arg3[%add3A_4] : memref<4096xi32, #tpu.memory_space<hbm>> -> memref<32xi32, #tpu.memory_space<hbm>>
      %dma_wait3A_36 = tpu.memref_slice %arg3[%add3A_4] : memref<4096xi32, #tpu.memory_space<hbm>> -> memref<32xi32, #tpu.memory_space<hbm>>
      tpu.wait_dma2 semaphore(%run_scoped3A : memref<!tpu.dma_semaphore, #tpu.memory_space<semaphore_mem>>) src(%dma_wait3A_36 : memref<32xi32, #tpu.memory_space<hbm>>) dst(%arg5 : memref<32xi32, #tpu.memory_space<vmem>>)
      tpu.yield
    }) : () -> ()
    %dma_start3A = arith.constant 0 : i32
    %dma_start3A_5 = arith.constant 0 : i32
    %dma_start3A_6 = tpu.memref_slice %arg2[%dma_start3A, %dma_start3A_5] : memref<4096x2048xf32, #tpu.memory_space<hbm>> -> memref<4096x2048xf32, #tpu.memory_space<hbm>>
    tpu.enqueue_indirect_dma source(%dma_start3A_6 : memref<4096x2048xf32, #tpu.memory_space<hbm>>) target(%arg6 : memref<32x2048xf32, #tpu.memory_space<vmem>>) offsets(%arg5 : memref<32xi32, #tpu.memory_space<vmem>>) semaphore(%arg7 : memref<!tpu.dma_semaphore, #tpu.memory_space<semaphore_mem>>)
    %dma_wait3A = arith.constant 0 : i32
    %dma_wait3A_7 = arith.constant 0 : i32
    %dma_wait3A_8 = tpu.memref_slice %arg2[%dma_wait3A, %dma_wait3A_7] : memref<4096x2048xf32, #tpu.memory_space<hbm>> -> memref<4096x2048xf32, #tpu.memory_space<hbm>>
    tpu.wait_indirect_dma semaphore(%arg7 : memref<!tpu.dma_semaphore, #tpu.memory_space<semaphore_mem>>) src(%dma_wait3A_8 : memref<4096x2048xf32, #tpu.memory_space<hbm>>) dst(%arg6 : memref<32x2048xf32, #tpu.memory_space<vmem>>)
    "tpu.region"() ({
      %run_scoped3A = tpu.sem_alloc : memref<!tpu.dma_semaphore, #tpu.memory_space<semaphore_mem>>
      %dma_start3A_33 = arith.constant 0 : i32
      %dma_start3A_34 = tpu.memref_slice %arg4[%add3A_4, %dma_start3A_33] : memref<4096x2048xf32, #tpu.memory_space<hbm>> -> memref<32x2048xf32, #tpu.memory_space<hbm>>
      %dma_start3A_35 = arith.constant 0 : i32
      %dma_start3A_36 = tpu.memref_slice %arg4[%add3A_4, %dma_start3A_35] : memref<4096x2048xf32, #tpu.memory_space<hbm>> -> memref<32x2048xf32, #tpu.memory_space<hbm>>
      tpu.enqueue_dma source(%arg6 : memref<32x2048xf32, #tpu.memory_space<vmem>>) target(%dma_start3A_36 : memref<32x2048xf32, #tpu.memory_space<hbm>>) target_semaphore(%run_scoped3A : memref<!tpu.dma_semaphore, #tpu.memory_space<semaphore_mem>>)
      %dma_wait3A_37 = arith.constant 0 : i32
      %dma_wait3A_38 = tpu.memref_slice %arg4[%add3A_4, %dma_wait3A_37] : memref<4096x2048xf32, #tpu.memory_space<hbm>> -> memref<32x2048xf32, #tpu.memory_space<hbm>>
      %dma_wait3A_39 = arith.constant 0 : i32
      %dma_wait3A_40 = tpu.memref_slice %arg4[%add3A_4, %dma_wait3A_39] : memref<4096x2048xf32, #tpu.memory_space<hbm>> -> memref<32x2048xf32, #tpu.memory_space<hbm>>
      tpu.wait_dma2 semaphore(%run_scoped3A : memref<!tpu.dma_semaphore, #tpu.memory_space<semaphore_mem>>) src(%arg6 : memref<32x2048xf32, #tpu.memory_space<vmem>>) dst(%dma_wait3A_40 : memref<32x2048xf32, #tpu.memory_space<hbm>>)
      tpu.yield
    }) : () -> ()
    %add3A_9 = arith.constant 32 : i32
    %add3A_10 = arith.addi %mul3A_2, %add3A_9 : i32
    "tpu.region"() ({
      %run_scoped3A = tpu.sem_alloc : memref<!tpu.dma_semaphore, #tpu.memory_space<semaphore_mem>>
      %dma_start3A_33 = tpu.memref_slice %arg3[%add3A_10] : memref<4096xi32, #tpu.memory_space<hbm>> -> memref<32xi32, #tpu.memory_space<hbm>>
      %dma_start3A_34 = tpu.memref_slice %arg3[%add3A_10] : memref<4096xi32, #tpu.memory_space<hbm>> -> memref<32xi32, #tpu.memory_space<hbm>>
      tpu.enqueue_dma source(%dma_start3A_34 : memref<32xi32, #tpu.memory_space<hbm>>) target(%arg5 : memref<32xi32, #tpu.memory_space<vmem>>) target_semaphore(%run_scoped3A : memref<!tpu.dma_semaphore, #tpu.memory_space<semaphore_mem>>)
      %dma_wait3A_35 = tpu.memref_slice %arg3[%add3A_10] : memref<4096xi32, #tpu.memory_space<hbm>> -> memref<32xi32, #tpu.memory_space<hbm>>
      %dma_wait3A_36 = tpu.memref_slice %arg3[%add3A_10] : memref<4096xi32, #tpu.memory_space<hbm>> -> memref<32xi32, #tpu.memory_space<hbm>>
      tpu.wait_dma2 semaphore(%run_scoped3A : memref<!tpu.dma_semaphore, #tpu.memory_space<semaphore_mem>>) src(%dma_wait3A_36 : memref<32xi32, #tpu.memory_space<hbm>>) dst(%arg5 : memref<32xi32, #tpu.memory_space<vmem>>)
      tpu.yield
    }) : () -> ()
    %dma_start3A_11 = arith.constant 0 : i32
    %dma_start3A_12 = arith.constant 0 : i32
    %dma_start3A_13 = tpu.memref_slice %arg2[%dma_start3A_11, %dma_start3A_12] : memref<4096x2048xf32, #tpu.memory_space<hbm>> -> memref<4096x2048xf32, #tpu.memory_space<hbm>>
    tpu.enqueue_indirect_dma source(%dma_start3A_13 : memref<4096x2048xf32, #tpu.memory_space<hbm>>) target(%arg6 : memref<32x2048xf32, #tpu.memory_space<vmem>>) offsets(%arg5 : memref<32xi32, #tpu.memory_space<vmem>>) semaphore(%arg7 : memref<!tpu.dma_semaphore, #tpu.memory_space<semaphore_mem>>)
    %dma_wait3A_14 = arith.constant 0 : i32
    %dma_wait3A_15 = arith.constant 0 : i32
    %dma_wait3A_16 = tpu.memref_slice %arg2[%dma_wait3A_14, %dma_wait3A_15] : memref<4096x2048xf32, #tpu.memory_space<hbm>> -> memref<4096x2048xf32, #tpu.memory_space<hbm>>
    tpu.wait_indirect_dma semaphore(%arg7 : memref<!tpu.dma_semaphore, #tpu.memory_space<semaphore_mem>>) src(%dma_wait3A_16 : memref<4096x2048xf32, #tpu.memory_space<hbm>>) dst(%arg6 : memref<32x2048xf32, #tpu.memory_space<vmem>>)
    "tpu.region"() ({
      %run_scoped3A = tpu.sem_alloc : memref<!tpu.dma_semaphore, #tpu.memory_space<semaphore_mem>>
      %dma_start3A_33 = arith.constant 0 : i32
      %dma_start3A_34 = tpu.memref_slice %arg4[%add3A_10, %dma_start3A_33] : memref<4096x2048xf32, #tpu.memory_space<hbm>> -> memref<32x2048xf32, #tpu.memory_space<hbm>>
      %dma_start3A_35 = arith.constant 0 : i32
      %dma_start3A_36 = tpu.memref_slice %arg4[%add3A_10, %dma_start3A_35] : memref<4096x2048xf32, #tpu.memory_space<hbm>> -> memref<32x2048xf32, #tpu.memory_space<hbm>>
      tpu.enqueue_dma source(%arg6 : memref<32x2048xf32, #tpu.memory_space<vmem>>) target(%dma_start3A_36 : memref<32x2048xf32, #tpu.memory_space<hbm>>) target_semaphore(%run_scoped3A : memref<!tpu.dma_semaphore, #tpu.memory_space<semaphore_mem>>)
      %dma_wait3A_37 = arith.constant 0 : i32
      %dma_wait3A_38 = tpu.memref_slice %arg4[%add3A_10, %dma_wait3A_37] : memref<4096x2048xf32, #tpu.memory_space<hbm>> -> memref<32x2048xf32, #tpu.memory_space<hbm>>
      %dma_wait3A_39 = arith.constant 0 : i32
      %dma_wait3A_40 = tpu.memref_slice %arg4[%add3A_10, %dma_wait3A_39] : memref<4096x2048xf32, #tpu.memory_space<hbm>> -> memref<32x2048xf32, #tpu.memory_space<hbm>>
      tpu.wait_dma2 semaphore(%run_scoped3A : memref<!tpu.dma_semaphore, #tpu.memory_space<semaphore_mem>>) src(%arg6 : memref<32x2048xf32, #tpu.memory_space<vmem>>) dst(%dma_wait3A_40 : memref<32x2048xf32, #tpu.memory_space<hbm>>)
      tpu.yield
    }) : () -> ()
    %add3A_17 = arith.constant 64 : i32
    %add3A_18 = arith.addi %mul3A_2, %add3A_17 : i32
    "tpu.region"() ({
      %run_scoped3A = tpu.sem_alloc : memref<!tpu.dma_semaphore, #tpu.memory_space<semaphore_mem>>
      %dma_start3A_33 = tpu.memref_slice %arg3[%add3A_18] : memref<4096xi32, #tpu.memory_space<hbm>> -> memref<32xi32, #tpu.memory_space<hbm>>
      %dma_start3A_34 = tpu.memref_slice %arg3[%add3A_18] : memref<4096xi32, #tpu.memory_space<hbm>> -> memref<32xi32, #tpu.memory_space<hbm>>
      tpu.enqueue_dma source(%dma_start3A_34 : memref<32xi32, #tpu.memory_space<hbm>>) target(%arg5 : memref<32xi32, #tpu.memory_space<vmem>>) target_semaphore(%run_scoped3A : memref<!tpu.dma_semaphore, #tpu.memory_space<semaphore_mem>>)
      %dma_wait3A_35 = tpu.memref_slice %arg3[%add3A_18] : memref<4096xi32, #tpu.memory_space<hbm>> -> memref<32xi32, #tpu.memory_space<hbm>>
      %dma_wait3A_36 = tpu.memref_slice %arg3[%add3A_18] : memref<4096xi32, #tpu.memory_space<hbm>> -> memref<32xi32, #tpu.memory_space<hbm>>
      tpu.wait_dma2 semaphore(%run_scoped3A : memref<!tpu.dma_semaphore, #tpu.memory_space<semaphore_mem>>) src(%dma_wait3A_36 : memref<32xi32, #tpu.memory_space<hbm>>) dst(%arg5 : memref<32xi32, #tpu.memory_space<vmem>>)
      tpu.yield
    }) : () -> ()
    %dma_start3A_19 = arith.constant 0 : i32
    %dma_start3A_20 = arith.constant 0 : i32
    %dma_start3A_21 = tpu.memref_slice %arg2[%dma_start3A_19, %dma_start3A_20] : memref<4096x2048xf32, #tpu.memory_space<hbm>> -> memref<4096x2048xf32, #tpu.memory_space<hbm>>
    tpu.enqueue_indirect_dma source(%dma_start3A_21 : memref<4096x2048xf32, #tpu.memory_space<hbm>>) target(%arg6 : memref<32x2048xf32, #tpu.memory_space<vmem>>) offsets(%arg5 : memref<32xi32, #tpu.memory_space<vmem>>) semaphore(%arg7 : memref<!tpu.dma_semaphore, #tpu.memory_space<semaphore_mem>>)
    %dma_wait3A_22 = arith.constant 0 : i32
    %dma_wait3A_23 = arith.constant 0 : i32
    %dma_wait3A_24 = tpu.memref_slice %arg2[%dma_wait3A_22, %dma_wait3A_23] : memref<4096x2048xf32, #tpu.memory_space<hbm>> -> memref<4096x2048xf32, #tpu.memory_space<hbm>>
    tpu.wait_indirect_dma semaphore(%arg7 : memref<!tpu.dma_semaphore, #tpu.memory_space<semaphore_mem>>) src(%dma_wait3A_24 : memref<4096x2048xf32, #tpu.memory_space<hbm>>) dst(%arg6 : memref<32x2048xf32, #tpu.memory_space<vmem>>)
    "tpu.region"() ({
      %run_scoped3A = tpu.sem_alloc : memref<!tpu.dma_semaphore, #tpu.memory_space<semaphore_mem>>
      %dma_start3A_33 = arith.constant 0 : i32
      %dma_start3A_34 = tpu.memref_slice %arg4[%add3A_18, %dma_start3A_33] : memref<4096x2048xf32, #tpu.memory_space<hbm>> -> memref<32x2048xf32, #tpu.memory_space<hbm>>
      %dma_start3A_35 = arith.constant 0 : i32
      %dma_start3A_36 = tpu.memref_slice %arg4[%add3A_18, %dma_start3A_35] : memref<4096x2048xf32, #tpu.memory_space<hbm>> -> memref<32x2048xf32, #tpu.memory_space<hbm>>
      tpu.enqueue_dma source(%arg6 : memref<32x2048xf32, #tpu.memory_space<vmem>>) target(%dma_start3A_36 : memref<32x2048xf32, #tpu.memory_space<hbm>>) target_semaphore(%run_scoped3A : memref<!tpu.dma_semaphore, #tpu.memory_space<semaphore_mem>>)
      %dma_wait3A_37 = arith.constant 0 : i32
      %dma_wait3A_38 = tpu.memref_slice %arg4[%add3A_18, %dma_wait3A_37] : memref<4096x2048xf32, #tpu.memory_space<hbm>> -> memref<32x2048xf32, #tpu.memory_space<hbm>>
      %dma_wait3A_39 = arith.constant 0 : i32
      %dma_wait3A_40 = tpu.memref_slice %arg4[%add3A_18, %dma_wait3A_39] : memref<4096x2048xf32, #tpu.memory_space<hbm>> -> memref<32x2048xf32, #tpu.memory_space<hbm>>
      tpu.wait_dma2 semaphore(%run_scoped3A : memref<!tpu.dma_semaphore, #tpu.memory_space<semaphore_mem>>) src(%arg6 : memref<32x2048xf32, #tpu.memory_space<vmem>>) dst(%dma_wait3A_40 : memref<32x2048xf32, #tpu.memory_space<hbm>>)
      tpu.yield
    }) : () -> ()
    %add3A_25 = arith.constant 96 : i32
    %add3A_26 = arith.addi %mul3A_2, %add3A_25 : i32
    "tpu.region"() ({
      %run_scoped3A = tpu.sem_alloc : memref<!tpu.dma_semaphore, #tpu.memory_space<semaphore_mem>>
      %dma_start3A_33 = tpu.memref_slice %arg3[%add3A_26] : memref<4096xi32, #tpu.memory_space<hbm>> -> memref<32xi32, #tpu.memory_space<hbm>>
      %dma_start3A_34 = tpu.memref_slice %arg3[%add3A_26] : memref<4096xi32, #tpu.memory_space<hbm>> -> memref<32xi32, #tpu.memory_space<hbm>>
      tpu.enqueue_dma source(%dma_start3A_34 : memref<32xi32, #tpu.memory_space<hbm>>) target(%arg5 : memref<32xi32, #tpu.memory_space<vmem>>) target_semaphore(%run_scoped3A : memref<!tpu.dma_semaphore, #tpu.memory_space<semaphore_mem>>)
      %dma_wait3A_35 = tpu.memref_slice %arg3[%add3A_26] : memref<4096xi32, #tpu.memory_space<hbm>> -> memref<32xi32, #tpu.memory_space<hbm>>
      %dma_wait3A_36 = tpu.memref_slice %arg3[%add3A_26] : memref<4096xi32, #tpu.memory_space<hbm>> -> memref<32xi32, #tpu.memory_space<hbm>>
      tpu.wait_dma2 semaphore(%run_scoped3A : memref<!tpu.dma_semaphore, #tpu.memory_space<semaphore_mem>>) src(%dma_wait3A_36 : memref<32xi32, #tpu.memory_space<hbm>>) dst(%arg5 : memref<32xi32, #tpu.memory_space<vmem>>)
      tpu.yield
    }) : () -> ()
    %dma_start3A_27 = arith.constant 0 : i32
    %dma_start3A_28 = arith.constant 0 : i32
    %dma_start3A_29 = tpu.memref_slice %arg2[%dma_start3A_27, %dma_start3A_28] : memref<4096x2048xf32, #tpu.memory_space<hbm>> -> memref<4096x2048xf32, #tpu.memory_space<hbm>>
    tpu.enqueue_indirect_dma source(%dma_start3A_29 : memref<4096x2048xf32, #tpu.memory_space<hbm>>) target(%arg6 : memref<32x2048xf32, #tpu.memory_space<vmem>>) offsets(%arg5 : memref<32xi32, #tpu.memory_space<vmem>>) semaphore(%arg7 : memref<!tpu.dma_semaphore, #tpu.memory_space<semaphore_mem>>)
    %dma_wait3A_30 = arith.constant 0 : i32
    %dma_wait3A_31 = arith.constant 0 : i32
    %dma_wait3A_32 = tpu.memref_slice %arg2[%dma_wait3A_30, %dma_wait3A_31] : memref<4096x2048xf32, #tpu.memory_space<hbm>> -> memref<4096x2048xf32, #tpu.memory_space<hbm>>
    tpu.wait_indirect_dma semaphore(%arg7 : memref<!tpu.dma_semaphore, #tpu.memory_space<semaphore_mem>>) src(%dma_wait3A_32 : memref<4096x2048xf32, #tpu.memory_space<hbm>>) dst(%arg6 : memref<32x2048xf32, #tpu.memory_space<vmem>>)
    "tpu.region"() ({
      %run_scoped3A = tpu.sem_alloc : memref<!tpu.dma_semaphore, #tpu.memory_space<semaphore_mem>>
      %dma_start3A_33 = arith.constant 0 : i32
      %dma_start3A_34 = tpu.memref_slice %arg4[%add3A_26, %dma_start3A_33] : memref<4096x2048xf32, #tpu.memory_space<hbm>> -> memref<32x2048xf32, #tpu.memory_space<hbm>>
      %dma_start3A_35 = arith.constant 0 : i32
      %dma_start3A_36 = tpu.memref_slice %arg4[%add3A_26, %dma_start3A_35] : memref<4096x2048xf32, #tpu.memory_space<hbm>> -> memref<32x2048xf32, #tpu.memory_space<hbm>>
      tpu.enqueue_dma source(%arg6 : memref<32x2048xf32, #tpu.memory_space<vmem>>) target(%dma_start3A_36 : memref<32x2048xf32, #tpu.memory_space<hbm>>) target_semaphore(%run_scoped3A : memref<!tpu.dma_semaphore, #tpu.memory_space<semaphore_mem>>)
      %dma_wait3A_37 = arith.constant 0 : i32
      %dma_wait3A_38 = tpu.memref_slice %arg4[%add3A_26, %dma_wait3A_37] : memref<4096x2048xf32, #tpu.memory_space<hbm>> -> memref<32x2048xf32, #tpu.memory_space<hbm>>
      %dma_wait3A_39 = arith.constant 0 : i32
      %dma_wait3A_40 = tpu.memref_slice %arg4[%add3A_26, %dma_wait3A_39] : memref<4096x2048xf32, #tpu.memory_space<hbm>> -> memref<32x2048xf32, #tpu.memory_space<hbm>>
      tpu.wait_dma2 semaphore(%run_scoped3A : memref<!tpu.dma_semaphore, #tpu.memory_space<semaphore_mem>>) src(%arg6 : memref<32x2048xf32, #tpu.memory_space<vmem>>) dst(%dma_wait3A_40 : memref<32x2048xf32, #tpu.memory_space<hbm>>)
      tpu.yield
    }) : () -> ()
    return
  }
}

#map = affine_map<(d0, d1) -> (0, 0)>
#map1 = affine_map<(d0, d1) -> (0)>
module attributes {stable_mosaic.version = 14 : i64} {
  func.func @gather(%arg0: i32, %arg1: i32, %arg2: memref<4096x1024xi32, #tpu.memory_space<hbm>>, %arg3: memref<4096xi32, #tpu.memory_space<hbm>>, %arg4: memref<4096xi32, #tpu.memory_space<hbm>>, %arg5: memref<4096x1024xi32, #tpu.memory_space<hbm>>, %arg6: memref<4096xi32, #tpu.memory_space<hbm>>, %arg7: memref<64xi32, #tpu.memory_space<vmem>>, %arg8: memref<64x1024xi32, #tpu.memory_space<vmem>>, %arg9: memref<!tpu.dma_semaphore, #tpu.memory_space<semaphore_mem>>, %arg10: memref<64xi32, #tpu.memory_space<vmem>>) attributes {dimension_semantics = [#tpu.dimension_semantics<core_parallel>, #tpu.dimension_semantics<subcore_parallel>], iteration_bounds = array<i64: 2, 16>, scalar_prefetch = 0 : i64, scratch_operands = 4 : i64, tpu.core_type = #tpu.core_type<sc_vector_subcore>, window_params = [{transform_indices = #map}, {transform_indices = #map1}, {transform_indices = #map1}, {transform_indices = #map}, {transform_indices = #map1}]} {
    %mul3A = arith.constant 2 : i32
    %mul3A_0 = arith.muli %arg1, %mul3A : i32
    %add3A = arith.addi %mul3A_0, %arg0 : i32
    %mul3A_1 = arith.constant 128 : i32
    %mul3A_2 = arith.muli %add3A, %mul3A_1 : i32
    %add3A_3 = arith.constant 0 : i32
    %add3A_4 = arith.addi %mul3A_2, %add3A_3 : i32
    "tpu.region"() ({
      %run_scoped3A = tpu.sem_alloc : memref<!tpu.dma_semaphore, #tpu.memory_space<semaphore_mem>>
      %dma_start3A_25 = tpu.memref_slice %arg3[%add3A_4] : memref<4096xi32, #tpu.memory_space<hbm>> -> memref<64xi32, #tpu.memory_space<hbm>>
      %dma_start3A_26 = tpu.memref_slice %arg3[%add3A_4] : memref<4096xi32, #tpu.memory_space<hbm>> -> memref<64xi32, #tpu.memory_space<hbm>>
      tpu.enqueue_dma source(%dma_start3A_26 : memref<64xi32, #tpu.memory_space<hbm>>) target(%arg7 : memref<64xi32, #tpu.memory_space<vmem>>) target_semaphore(%run_scoped3A : memref<!tpu.dma_semaphore, #tpu.memory_space<semaphore_mem>>)
      %dma_wait3A_27 = tpu.memref_slice %arg3[%add3A_4] : memref<4096xi32, #tpu.memory_space<hbm>> -> memref<64xi32, #tpu.memory_space<hbm>>
      %dma_wait3A_28 = tpu.memref_slice %arg3[%add3A_4] : memref<4096xi32, #tpu.memory_space<hbm>> -> memref<64xi32, #tpu.memory_space<hbm>>
      tpu.wait_dma2 semaphore(%run_scoped3A : memref<!tpu.dma_semaphore, #tpu.memory_space<semaphore_mem>>) src(%dma_wait3A_28 : memref<64xi32, #tpu.memory_space<hbm>>) dst(%arg7 : memref<64xi32, #tpu.memory_space<vmem>>)
      tpu.yield
    }) : () -> ()
    %dma_start3A = arith.constant 0 : i32
    %dma_start3A_5 = arith.constant 0 : i32
    %dma_start3A_6 = tpu.memref_slice %arg2[%dma_start3A, %dma_start3A_5] : memref<4096x1024xi32, #tpu.memory_space<hbm>> -> memref<4096x1024xi32, #tpu.memory_space<hbm>>
    tpu.enqueue_indirect_dma source(%dma_start3A_6 : memref<4096x1024xi32, #tpu.memory_space<hbm>>) target(%arg8 : memref<64x1024xi32, #tpu.memory_space<vmem>>) offsets(%arg7 : memref<64xi32, #tpu.memory_space<vmem>>) semaphore(%arg9 : memref<!tpu.dma_semaphore, #tpu.memory_space<semaphore_mem>>)
    %dma_wait3A = arith.constant 0 : i32
    %dma_wait3A_7 = arith.constant 0 : i32
    %dma_wait3A_8 = tpu.memref_slice %arg2[%dma_wait3A, %dma_wait3A_7] : memref<4096x1024xi32, #tpu.memory_space<hbm>> -> memref<4096x1024xi32, #tpu.memory_space<hbm>>
    tpu.wait_indirect_dma semaphore(%arg9 : memref<!tpu.dma_semaphore, #tpu.memory_space<semaphore_mem>>) src(%dma_wait3A_8 : memref<4096x1024xi32, #tpu.memory_space<hbm>>) dst(%arg8 : memref<64x1024xi32, #tpu.memory_space<vmem>>)
    "tpu.region"() ({
      %run_scoped3A = tpu.sem_alloc : memref<!tpu.dma_semaphore, #tpu.memory_space<semaphore_mem>>
      %dma_start3A_25 = arith.constant 0 : i32
      %dma_start3A_26 = tpu.memref_slice %arg5[%add3A_4, %dma_start3A_25] : memref<4096x1024xi32, #tpu.memory_space<hbm>> -> memref<64x1024xi32, #tpu.memory_space<hbm>>
      %dma_start3A_27 = arith.constant 0 : i32
      %dma_start3A_28 = tpu.memref_slice %arg5[%add3A_4, %dma_start3A_27] : memref<4096x1024xi32, #tpu.memory_space<hbm>> -> memref<64x1024xi32, #tpu.memory_space<hbm>>
      tpu.enqueue_dma source(%arg8 : memref<64x1024xi32, #tpu.memory_space<vmem>>) target(%dma_start3A_28 : memref<64x1024xi32, #tpu.memory_space<hbm>>) target_semaphore(%run_scoped3A : memref<!tpu.dma_semaphore, #tpu.memory_space<semaphore_mem>>)
      %dma_wait3A_29 = arith.constant 0 : i32
      %dma_wait3A_30 = tpu.memref_slice %arg5[%add3A_4, %dma_wait3A_29] : memref<4096x1024xi32, #tpu.memory_space<hbm>> -> memref<64x1024xi32, #tpu.memory_space<hbm>>
      %dma_wait3A_31 = arith.constant 0 : i32
      %dma_wait3A_32 = tpu.memref_slice %arg5[%add3A_4, %dma_wait3A_31] : memref<4096x1024xi32, #tpu.memory_space<hbm>> -> memref<64x1024xi32, #tpu.memory_space<hbm>>
      tpu.wait_dma2 semaphore(%run_scoped3A : memref<!tpu.dma_semaphore, #tpu.memory_space<semaphore_mem>>) src(%arg8 : memref<64x1024xi32, #tpu.memory_space<vmem>>) dst(%dma_wait3A_32 : memref<64x1024xi32, #tpu.memory_space<hbm>>)
      tpu.yield
    }) : () -> ()
    %dma_start3A_9 = arith.constant 0 : i32
    %dma_start3A_10 = tpu.memref_slice %arg4[%dma_start3A_9] : memref<4096xi32, #tpu.memory_space<hbm>> -> memref<4096xi32, #tpu.memory_space<hbm>>
    tpu.enqueue_indirect_dma source(%dma_start3A_10 : memref<4096xi32, #tpu.memory_space<hbm>>) target(%arg10 : memref<64xi32, #tpu.memory_space<vmem>>) offsets(%arg7 : memref<64xi32, #tpu.memory_space<vmem>>) semaphore(%arg9 : memref<!tpu.dma_semaphore, #tpu.memory_space<semaphore_mem>>)
    %dma_wait3A_11 = arith.constant 0 : i32
    %dma_wait3A_12 = tpu.memref_slice %arg4[%dma_wait3A_11] : memref<4096xi32, #tpu.memory_space<hbm>> -> memref<4096xi32, #tpu.memory_space<hbm>>
    tpu.wait_indirect_dma semaphore(%arg9 : memref<!tpu.dma_semaphore, #tpu.memory_space<semaphore_mem>>) src(%dma_wait3A_12 : memref<4096xi32, #tpu.memory_space<hbm>>) dst(%arg10 : memref<64xi32, #tpu.memory_space<vmem>>)
    "tpu.region"() ({
      %run_scoped3A = tpu.sem_alloc : memref<!tpu.dma_semaphore, #tpu.memory_space<semaphore_mem>>
      %dma_start3A_25 = tpu.memref_slice %arg6[%add3A_4] : memref<4096xi32, #tpu.memory_space<hbm>> -> memref<64xi32, #tpu.memory_space<hbm>>
      %dma_start3A_26 = tpu.memref_slice %arg6[%add3A_4] : memref<4096xi32, #tpu.memory_space<hbm>> -> memref<64xi32, #tpu.memory_space<hbm>>
      tpu.enqueue_dma source(%arg10 : memref<64xi32, #tpu.memory_space<vmem>>) target(%dma_start3A_26 : memref<64xi32, #tpu.memory_space<hbm>>) target_semaphore(%run_scoped3A : memref<!tpu.dma_semaphore, #tpu.memory_space<semaphore_mem>>)
      %dma_wait3A_27 = tpu.memref_slice %arg6[%add3A_4] : memref<4096xi32, #tpu.memory_space<hbm>> -> memref<64xi32, #tpu.memory_space<hbm>>
      %dma_wait3A_28 = tpu.memref_slice %arg6[%add3A_4] : memref<4096xi32, #tpu.memory_space<hbm>> -> memref<64xi32, #tpu.memory_space<hbm>>
      tpu.wait_dma2 semaphore(%run_scoped3A : memref<!tpu.dma_semaphore, #tpu.memory_space<semaphore_mem>>) src(%arg10 : memref<64xi32, #tpu.memory_space<vmem>>) dst(%dma_wait3A_28 : memref<64xi32, #tpu.memory_space<hbm>>)
      tpu.yield
    }) : () -> ()
    %add3A_13 = arith.constant 64 : i32
    %add3A_14 = arith.addi %mul3A_2, %add3A_13 : i32
    "tpu.region"() ({
      %run_scoped3A = tpu.sem_alloc : memref<!tpu.dma_semaphore, #tpu.memory_space<semaphore_mem>>
      %dma_start3A_25 = tpu.memref_slice %arg3[%add3A_14] : memref<4096xi32, #tpu.memory_space<hbm>> -> memref<64xi32, #tpu.memory_space<hbm>>
      %dma_start3A_26 = tpu.memref_slice %arg3[%add3A_14] : memref<4096xi32, #tpu.memory_space<hbm>> -> memref<64xi32, #tpu.memory_space<hbm>>
      tpu.enqueue_dma source(%dma_start3A_26 : memref<64xi32, #tpu.memory_space<hbm>>) target(%arg7 : memref<64xi32, #tpu.memory_space<vmem>>) target_semaphore(%run_scoped3A : memref<!tpu.dma_semaphore, #tpu.memory_space<semaphore_mem>>)
      %dma_wait3A_27 = tpu.memref_slice %arg3[%add3A_14] : memref<4096xi32, #tpu.memory_space<hbm>> -> memref<64xi32, #tpu.memory_space<hbm>>
      %dma_wait3A_28 = tpu.memref_slice %arg3[%add3A_14] : memref<4096xi32, #tpu.memory_space<hbm>> -> memref<64xi32, #tpu.memory_space<hbm>>
      tpu.wait_dma2 semaphore(%run_scoped3A : memref<!tpu.dma_semaphore, #tpu.memory_space<semaphore_mem>>) src(%dma_wait3A_28 : memref<64xi32, #tpu.memory_space<hbm>>) dst(%arg7 : memref<64xi32, #tpu.memory_space<vmem>>)
      tpu.yield
    }) : () -> ()
    %dma_start3A_15 = arith.constant 0 : i32
    %dma_start3A_16 = arith.constant 0 : i32
    %dma_start3A_17 = tpu.memref_slice %arg2[%dma_start3A_15, %dma_start3A_16] : memref<4096x1024xi32, #tpu.memory_space<hbm>> -> memref<4096x1024xi32, #tpu.memory_space<hbm>>
    tpu.enqueue_indirect_dma source(%dma_start3A_17 : memref<4096x1024xi32, #tpu.memory_space<hbm>>) target(%arg8 : memref<64x1024xi32, #tpu.memory_space<vmem>>) offsets(%arg7 : memref<64xi32, #tpu.memory_space<vmem>>) semaphore(%arg9 : memref<!tpu.dma_semaphore, #tpu.memory_space<semaphore_mem>>)
    %dma_wait3A_18 = arith.constant 0 : i32
    %dma_wait3A_19 = arith.constant 0 : i32
    %dma_wait3A_20 = tpu.memref_slice %arg2[%dma_wait3A_18, %dma_wait3A_19] : memref<4096x1024xi32, #tpu.memory_space<hbm>> -> memref<4096x1024xi32, #tpu.memory_space<hbm>>
    tpu.wait_indirect_dma semaphore(%arg9 : memref<!tpu.dma_semaphore, #tpu.memory_space<semaphore_mem>>) src(%dma_wait3A_20 : memref<4096x1024xi32, #tpu.memory_space<hbm>>) dst(%arg8 : memref<64x1024xi32, #tpu.memory_space<vmem>>)
    "tpu.region"() ({
      %run_scoped3A = tpu.sem_alloc : memref<!tpu.dma_semaphore, #tpu.memory_space<semaphore_mem>>
      %dma_start3A_25 = arith.constant 0 : i32
      %dma_start3A_26 = tpu.memref_slice %arg5[%add3A_14, %dma_start3A_25] : memref<4096x1024xi32, #tpu.memory_space<hbm>> -> memref<64x1024xi32, #tpu.memory_space<hbm>>
      %dma_start3A_27 = arith.constant 0 : i32
      %dma_start3A_28 = tpu.memref_slice %arg5[%add3A_14, %dma_start3A_27] : memref<4096x1024xi32, #tpu.memory_space<hbm>> -> memref<64x1024xi32, #tpu.memory_space<hbm>>
      tpu.enqueue_dma source(%arg8 : memref<64x1024xi32, #tpu.memory_space<vmem>>) target(%dma_start3A_28 : memref<64x1024xi32, #tpu.memory_space<hbm>>) target_semaphore(%run_scoped3A : memref<!tpu.dma_semaphore, #tpu.memory_space<semaphore_mem>>)
      %dma_wait3A_29 = arith.constant 0 : i32
      %dma_wait3A_30 = tpu.memref_slice %arg5[%add3A_14, %dma_wait3A_29] : memref<4096x1024xi32, #tpu.memory_space<hbm>> -> memref<64x1024xi32, #tpu.memory_space<hbm>>
      %dma_wait3A_31 = arith.constant 0 : i32
      %dma_wait3A_32 = tpu.memref_slice %arg5[%add3A_14, %dma_wait3A_31] : memref<4096x1024xi32, #tpu.memory_space<hbm>> -> memref<64x1024xi32, #tpu.memory_space<hbm>>
      tpu.wait_dma2 semaphore(%run_scoped3A : memref<!tpu.dma_semaphore, #tpu.memory_space<semaphore_mem>>) src(%arg8 : memref<64x1024xi32, #tpu.memory_space<vmem>>) dst(%dma_wait3A_32 : memref<64x1024xi32, #tpu.memory_space<hbm>>)
      tpu.yield
    }) : () -> ()
    %dma_start3A_21 = arith.constant 0 : i32
    %dma_start3A_22 = tpu.memref_slice %arg4[%dma_start3A_21] : memref<4096xi32, #tpu.memory_space<hbm>> -> memref<4096xi32, #tpu.memory_space<hbm>>
    tpu.enqueue_indirect_dma source(%dma_start3A_22 : memref<4096xi32, #tpu.memory_space<hbm>>) target(%arg10 : memref<64xi32, #tpu.memory_space<vmem>>) offsets(%arg7 : memref<64xi32, #tpu.memory_space<vmem>>) semaphore(%arg9 : memref<!tpu.dma_semaphore, #tpu.memory_space<semaphore_mem>>)
    %dma_wait3A_23 = arith.constant 0 : i32
    %dma_wait3A_24 = tpu.memref_slice %arg4[%dma_wait3A_23] : memref<4096xi32, #tpu.memory_space<hbm>> -> memref<4096xi32, #tpu.memory_space<hbm>>
    tpu.wait_indirect_dma semaphore(%arg9 : memref<!tpu.dma_semaphore, #tpu.memory_space<semaphore_mem>>) src(%dma_wait3A_24 : memref<4096xi32, #tpu.memory_space<hbm>>) dst(%arg10 : memref<64xi32, #tpu.memory_space<vmem>>)
    "tpu.region"() ({
      %run_scoped3A = tpu.sem_alloc : memref<!tpu.dma_semaphore, #tpu.memory_space<semaphore_mem>>
      %dma_start3A_25 = tpu.memref_slice %arg6[%add3A_14] : memref<4096xi32, #tpu.memory_space<hbm>> -> memref<64xi32, #tpu.memory_space<hbm>>
      %dma_start3A_26 = tpu.memref_slice %arg6[%add3A_14] : memref<4096xi32, #tpu.memory_space<hbm>> -> memref<64xi32, #tpu.memory_space<hbm>>
      tpu.enqueue_dma source(%arg10 : memref<64xi32, #tpu.memory_space<vmem>>) target(%dma_start3A_26 : memref<64xi32, #tpu.memory_space<hbm>>) target_semaphore(%run_scoped3A : memref<!tpu.dma_semaphore, #tpu.memory_space<semaphore_mem>>)
      %dma_wait3A_27 = tpu.memref_slice %arg6[%add3A_14] : memref<4096xi32, #tpu.memory_space<hbm>> -> memref<64xi32, #tpu.memory_space<hbm>>
      %dma_wait3A_28 = tpu.memref_slice %arg6[%add3A_14] : memref<4096xi32, #tpu.memory_space<hbm>> -> memref<64xi32, #tpu.memory_space<hbm>>
      tpu.wait_dma2 semaphore(%run_scoped3A : memref<!tpu.dma_semaphore, #tpu.memory_space<semaphore_mem>>) src(%arg10 : memref<64xi32, #tpu.memory_space<vmem>>) dst(%dma_wait3A_28 : memref<64xi32, #tpu.memory_space<hbm>>)
      tpu.yield
    }) : () -> ()
    return
  }
}

module attributes {stable_mosaic.version = 14 : i64} {
  func.func @_film_tables_kernel(%arg0: memref<64x512xf32, #tpu.memory_space<vmem>>, %arg1: memref<2048x512xf32, #tpu.memory_space<vmem>>, %arg2: memref<2048x512xf32, #tpu.memory_space<vmem>>, %arg3: memref<1x2048xf32, #tpu.memory_space<vmem>>, %arg4: memref<1x2048xf32, #tpu.memory_space<vmem>>, %arg5: memref<64x2048xf32, #tpu.memory_space<vmem>>, %arg6: memref<64x2048xf32, #tpu.memory_space<vmem>>) attributes {dimension_semantics = [], scalar_prefetch = 0 : i64, scratch_operands = 0 : i64, tpu.core_type = #tpu.core_type<tc>} {
    %get3A = arith.constant 0 : index
    %get3A_0 = arith.constant 0 : index
    %get3A_1 = vector.load %arg0[%get3A, %get3A_0] : memref<64x512xf32, #tpu.memory_space<vmem>>, vector<64x512xf32>
    %get3A_2 = arith.constant 0 : index
    %get3A_3 = arith.constant 0 : index
    %get3A_4 = vector.load %arg1[%get3A_2, %get3A_3] : memref<2048x512xf32, #tpu.memory_space<vmem>>, vector<2048x512xf32>
    %dot_general3A = arith.constant dense<0.000000e+00> : vector<64x2048xf32>
    %dot_general3A_5 = tpu.matmul %get3A_1, %get3A_4, %dot_general3A {dimension_numbers = #tpu.dot_dimension_numbers<[1], [1], [0], [0], [0, 0, 1, 0], [], []>, transpose_lhs_hint = false} : vector<64x512xf32>, vector<2048x512xf32>, vector<64x2048xf32> -> vector<64x2048xf32>
    %get3A_6 = arith.constant 0 : index
    %get3A_7 = arith.constant 0 : index
    %get3A_8 = vector.load %arg3[%get3A_6, %get3A_7] : memref<1x2048xf32, #tpu.memory_space<vmem>>, vector<1x2048xf32>
    %add3A = vector.broadcast %get3A_8 : vector<1x2048xf32> to vector<64x2048xf32>
    %add3A_9 = arith.addf %dot_general3A_5, %add3A : vector<64x2048xf32>
    %swap3A = arith.constant 0 : index
    %swap3A_10 = arith.constant 0 : index
    %swap3A_11 = vector.load %arg5[%swap3A, %swap3A_10] : memref<64x2048xf32, #tpu.memory_space<vmem>>, vector<64x2048xf32>
    tpu.vector_store %arg5[%swap3A, %swap3A_10], %add3A_9 {strides = array<i32>} : memref<64x2048xf32, #tpu.memory_space<vmem>>, vector<64x2048xf32>,
    %get3A_12 = arith.constant 0 : index
    %get3A_13 = arith.constant 0 : index
    %get3A_14 = vector.load %arg2[%get3A_12, %get3A_13] : memref<2048x512xf32, #tpu.memory_space<vmem>>, vector<2048x512xf32>
    %dot_general3A_15 = arith.constant dense<0.000000e+00> : vector<64x2048xf32>
    %dot_general3A_16 = tpu.matmul %get3A_1, %get3A_14, %dot_general3A_15 {dimension_numbers = #tpu.dot_dimension_numbers<[1], [1], [0], [0], [0, 0, 1, 0], [], []>, transpose_lhs_hint = false} : vector<64x512xf32>, vector<2048x512xf32>, vector<64x2048xf32> -> vector<64x2048xf32>
    %get3A_17 = arith.constant 0 : index
    %get3A_18 = arith.constant 0 : index
    %get3A_19 = vector.load %arg4[%get3A_17, %get3A_18] : memref<1x2048xf32, #tpu.memory_space<vmem>>, vector<1x2048xf32>
    %add3A_20 = vector.broadcast %get3A_19 : vector<1x2048xf32> to vector<64x2048xf32>
    %add3A_21 = arith.addf %dot_general3A_16, %add3A_20 : vector<64x2048xf32>
    %swap3A_22 = arith.constant 0 : index
    %swap3A_23 = arith.constant 0 : index
    %swap3A_24 = vector.load %arg6[%swap3A_22, %swap3A_23] : memref<64x2048xf32, #tpu.memory_space<vmem>>, vector<64x2048xf32>
    tpu.vector_store %arg6[%swap3A_22, %swap3A_23], %add3A_21 {strides = array<i32>} : memref<64x2048xf32, #tpu.memory_space<vmem>>, vector<64x2048xf32>,
    return
  }
}

module attributes {stable_mosaic.version = 14 : i64} {
  func.func @_grouped_kernel(%arg0: i32, %arg1: memref<2xi32, #tpu.memory_space<smem>>, %arg2: memref<256x2048xbf16, #tpu.memory_space<vmem>>, %arg3: memref<1x1x256xi32, #tpu.memory_space<vmem>>, %arg4: memref<2048x2048xbf16, #tpu.memory_space<vmem>>, %arg5: memref<2048x1024xbf16, #tpu.memory_space<vmem>>, %arg6: memref<2048x512xbf16, #tpu.memory_space<vmem>>, %arg7: memref<1x2048xf32, #tpu.memory_space<vmem>>, %arg8: memref<1x2048xf32, #tpu.memory_space<vmem>>, %arg9: memref<1x2048xf32, #tpu.memory_space<vmem>>, %arg10: memref<64x2048xf32, #tpu.memory_space<vmem>>, %arg11: memref<64x2048xf32, #tpu.memory_space<vmem>>, %arg12: memref<256x2048xf32, #tpu.memory_space<vmem>>) attributes {dimension_semantics = [#tpu.dimension_semantics<arbitrary>], iteration_bounds = array<i64: 16>, scalar_prefetch = 1 : i64, scratch_operands = 0 : i64, tpu.core_type = #tpu.core_type<tc>, window_params = [{transform_indices = @transform_0, window_bounds = array<i64: 256, 2048>}, {transform_indices = @transform_1, window_bounds = array<i64: 1, 1, 256>}, {pipeline_mode = #tpu.pipeline_mode<synchronous>, transform_indices = @transform_2, window_bounds = array<i64: 2048, 2048>}, {pipeline_mode = #tpu.pipeline_mode<synchronous>, transform_indices = @transform_3, window_bounds = array<i64: 2048, 1024>}, {pipeline_mode = #tpu.pipeline_mode<synchronous>, transform_indices = @transform_4, window_bounds = array<i64: 2048, 512>}, {pipeline_mode = #tpu.pipeline_mode<synchronous>, transform_indices = @transform_5, window_bounds = array<i64: 1, 2048>}, {pipeline_mode = #tpu.pipeline_mode<synchronous>, transform_indices = @transform_6, window_bounds = array<i64: 1, 2048>}, {pipeline_mode = #tpu.pipeline_mode<synchronous>, transform_indices = @transform_7, window_bounds = array<i64: 1, 2048>}, {pipeline_mode = #tpu.pipeline_mode<synchronous>, transform_indices = @transform_8, window_bounds = array<i64: 64, 2048>}, {pipeline_mode = #tpu.pipeline_mode<synchronous>, transform_indices = @transform_9, window_bounds = array<i64: 64, 2048>}, {transform_indices = @transform_10, window_bounds = array<i64: 256, 2048>}]} {
    %get3A = arith.constant 0 : index
    %get3A_0 = memref.load %arg1[%get3A] : memref<2xi32, #tpu.memory_space<smem>>
    %get3A_1 = arith.constant 1 : index
    %get3A_2 = memref.load %arg1[%get3A_1] : memref<2xi32, #tpu.memory_space<smem>>
    %mul3A = arith.constant 256 : i32
    %mul3A_3 = arith.muli %arg0, %mul3A : i32
    %iota3A = tpu.iota {dimensions = array<i32: 0>} : vector<256x1xi32>
    %add3A = vector.broadcast %mul3A_3 : i32 to vector<256x1xi32>
    %add3A_4 = arith.addi %add3A, %iota3A : vector<256x1xi32>
    %get3A_5 = arith.constant 0 : index
    %get3A_6 = arith.constant 0 : index
    %get3A_7 = vector.load %arg2[%get3A_5, %get3A_6] : memref<256x2048xbf16, #tpu.memory_space<vmem>>, vector<256x2048xbf16>
    %broadcast_in_dim3A = arith.constant 0.000000e+00 : f32
    %broadcast_in_dim3A_8 = vector.broadcast %broadcast_in_dim3A : f32 to vector<256x2048xf32>
    %swap3A = arith.constant 0 : index
    %swap3A_9 = arith.constant 0 : index
    %swap3A_10 = vector.load %arg12[%swap3A, %swap3A_9] : memref<256x2048xf32, #tpu.memory_space<vmem>>, vector<256x2048xf32>
    tpu.vector_store %arg12[%swap3A, %swap3A_9], %broadcast_in_dim3A_8 {strides = array<i32>} : memref<256x2048xf32, #tpu.memory_space<vmem>>, vector<256x2048xf32>,
    %gt3A = arith.cmpi sgt, %get3A_0, %mul3A_3 : i32
    %convert_element_type3A = arith.extui %gt3A : i1 to i32
    %cond3A = arith.constant 0 : i32
    %cond3A_11 = arith.cmpi ne, %convert_element_type3A, %cond3A : i32
    scf.if %cond3A_11 {
      %lt3A_54 = vector.broadcast %get3A_0 : i32 to vector<256x1xi32>
      %lt3A_55 = arith.cmpi slt, %add3A_4, %lt3A_54 : vector<256x1xi32>
      %convert_element_type3A_56 = arith.extui %lt3A_55 : vector<256x1xi1> to vector<256x1xi32>
      %convert_element_type3A_57 = arith.sitofp %convert_element_type3A_56 : vector<256x1xi32> to vector<256x1xf32>
      %get3A_58 = arith.constant 0 : index
      %get3A_59 = arith.constant 0 : index
      %get3A_60 = vector.load %arg4[%get3A_58, %get3A_59] : memref<2048x2048xbf16, #tpu.memory_space<vmem>>, vector<2048x2048xbf16>
      %dot_general3A_61 = arith.constant dense<0.000000e+00> : vector<256x2048xf32>
      %dot_general3A_62 = tpu.matmul %get3A_7, %get3A_60, %dot_general3A_61 {dimension_numbers = #tpu.dot_dimension_numbers<[1], [1], [0], [0], [0, 0, 1, 0], [], []>, transpose_lhs_hint = false} : vector<256x2048xbf16>, vector<2048x2048xbf16>, vector<256x2048xf32> -> vector<256x2048xf32>
      %get3A_63 = arith.constant 0 : index
      %get3A_64 = arith.constant 0 : index
      %get3A_65 = vector.load %arg12[%get3A_63, %get3A_64] : memref<256x2048xf32, #tpu.memory_space<vmem>>, vector<256x2048xf32>
      %get3A_66 = arith.constant 0 : index
      %get3A_67 = arith.constant 0 : index
      %get3A_68 = vector.load %arg7[%get3A_66, %get3A_67] : memref<1x2048xf32, #tpu.memory_space<vmem>>, vector<1x2048xf32>
      %add3A_69 = vector.broadcast %get3A_68 : vector<1x2048xf32> to vector<256x2048xf32>
      %add3A_70 = arith.addf %dot_general3A_62, %add3A_69 : vector<256x2048xf32>
      %mul3A_71 = vector.broadcast %convert_element_type3A_57 : vector<256x1xf32> to vector<256x2048xf32>
      %mul3A_72 = arith.mulf %mul3A_71, %add3A_70 : vector<256x2048xf32>
      %add3A_73 = arith.addf %get3A_65, %mul3A_72 : vector<256x2048xf32>
      %swap3A_74 = arith.constant 0 : index
      %swap3A_75 = arith.constant 0 : index
      %swap3A_76 = vector.load %arg12[%swap3A_74, %swap3A_75] : memref<256x2048xf32, #tpu.memory_space<vmem>>, vector<256x2048xf32>
      tpu.vector_store %arg12[%swap3A_74, %swap3A_75], %add3A_73 {strides = array<i32>} : memref<256x2048xf32, #tpu.memory_space<vmem>>, vector<256x2048xf32>,
    } else {
    }
    %gt3A_12 = arith.cmpi sgt, %get3A_2, %mul3A_3 : i32
    %add3A_13 = arith.constant 256 : i32
    %add3A_14 = arith.addi %mul3A_3, %add3A_13 : i32
    %lt3A = arith.cmpi slt, %get3A_0, %add3A_14 : i32
    %and3A = arith.andi %gt3A_12, %lt3A : i1
    %convert_element_type3A_15 = arith.extui %and3A : i1 to i32
    %cond3A_16 = arith.constant 0 : i32
    %cond3A_17 = arith.cmpi ne, %convert_element_type3A_15, %cond3A_16 : i32
    scf.if %cond3A_17 {
      %ge3A = vector.broadcast %get3A_0 : i32 to vector<256x1xi32>
      %ge3A_54 = arith.cmpi sge, %add3A_4, %ge3A : vector<256x1xi32>
      %lt3A_55 = vector.broadcast %get3A_2 : i32 to vector<256x1xi32>
      %lt3A_56 = arith.cmpi slt, %add3A_4, %lt3A_55 : vector<256x1xi32>
      %and3A_57 = arith.andi %ge3A_54, %lt3A_56 : vector<256x1xi1>
      %convert_element_type3A_58 = arith.extui %and3A_57 : vector<256x1xi1> to vector<256x1xi32>
      %convert_element_type3A_59 = arith.sitofp %convert_element_type3A_58 : vector<256x1xi32> to vector<256x1xf32>
      %slice3A = vector.extract_strided_slice %get3A_7 {offsets = [0, 0], sizes = [256, 1024], strides = [1, 1]} : vector<256x2048xbf16> to vector<256x1024xbf16>
      %get3A_60 = arith.constant 0 : index
      %get3A_61 = arith.constant 0 : index
      %get3A_62 = vector.load %arg5[%get3A_60, %get3A_61] : memref<2048x1024xbf16, #tpu.memory_space<vmem>>, vector<2048x1024xbf16>
      %dot_general3A_63 = arith.constant dense<0.000000e+00> : vector<256x2048xf32>
      %dot_general3A_64 = tpu.matmul %slice3A, %get3A_62, %dot_general3A_63 {dimension_numbers = #tpu.dot_dimension_numbers<[1], [1], [0], [0], [0, 0, 1, 0], [], []>, transpose_lhs_hint = false} : vector<256x1024xbf16>, vector<2048x1024xbf16>, vector<256x2048xf32> -> vector<256x2048xf32>
      %get3A_65 = arith.constant 0 : index
      %get3A_66 = arith.constant 0 : index
      %get3A_67 = vector.load %arg12[%get3A_65, %get3A_66] : memref<256x2048xf32, #tpu.memory_space<vmem>>, vector<256x2048xf32>
      %get3A_68 = arith.constant 0 : index
      %get3A_69 = arith.constant 0 : index
      %get3A_70 = vector.load %arg8[%get3A_68, %get3A_69] : memref<1x2048xf32, #tpu.memory_space<vmem>>, vector<1x2048xf32>
      %add3A_71 = vector.broadcast %get3A_70 : vector<1x2048xf32> to vector<256x2048xf32>
      %add3A_72 = arith.addf %dot_general3A_64, %add3A_71 : vector<256x2048xf32>
      %mul3A_73 = vector.broadcast %convert_element_type3A_59 : vector<256x1xf32> to vector<256x2048xf32>
      %mul3A_74 = arith.mulf %mul3A_73, %add3A_72 : vector<256x2048xf32>
      %add3A_75 = arith.addf %get3A_67, %mul3A_74 : vector<256x2048xf32>
      %swap3A_76 = arith.constant 0 : index
      %swap3A_77 = arith.constant 0 : index
      %swap3A_78 = vector.load %arg12[%swap3A_76, %swap3A_77] : memref<256x2048xf32, #tpu.memory_space<vmem>>, vector<256x2048xf32>
      tpu.vector_store %arg12[%swap3A_76, %swap3A_77], %add3A_75 {strides = array<i32>} : memref<256x2048xf32, #tpu.memory_space<vmem>>, vector<256x2048xf32>,
    } else {
    }
    %add3A_18 = arith.constant 256 : i32
    %add3A_19 = arith.addi %mul3A_3, %add3A_18 : i32
    %lt3A_20 = arith.cmpi slt, %get3A_2, %add3A_19 : i32
    %convert_element_type3A_21 = arith.extui %lt3A_20 : i1 to i32
    %cond3A_22 = arith.constant 0 : i32
    %cond3A_23 = arith.cmpi ne, %convert_element_type3A_21, %cond3A_22 : i32
    scf.if %cond3A_23 {
      %ge3A = vector.broadcast %get3A_2 : i32 to vector<256x1xi32>
      %ge3A_54 = arith.cmpi sge, %add3A_4, %ge3A : vector<256x1xi32>
      %convert_element_type3A_55 = arith.extui %ge3A_54 : vector<256x1xi1> to vector<256x1xi32>
      %convert_element_type3A_56 = arith.sitofp %convert_element_type3A_55 : vector<256x1xi32> to vector<256x1xf32>
      %slice3A = vector.extract_strided_slice %get3A_7 {offsets = [0, 0], sizes = [256, 512], strides = [1, 1]} : vector<256x2048xbf16> to vector<256x512xbf16>
      %get3A_57 = arith.constant 0 : index
      %get3A_58 = arith.constant 0 : index
      %get3A_59 = vector.load %arg6[%get3A_57, %get3A_58] : memref<2048x512xbf16, #tpu.memory_space<vmem>>, vector<2048x512xbf16>
      %dot_general3A_60 = arith.constant dense<0.000000e+00> : vector<256x2048xf32>
      %dot_general3A_61 = tpu.matmul %slice3A, %get3A_59, %dot_general3A_60 {dimension_numbers = #tpu.dot_dimension_numbers<[1], [1], [0], [0], [0, 0, 1, 0], [], []>, transpose_lhs_hint = false} : vector<256x512xbf16>, vector<2048x512xbf16>, vector<256x2048xf32> -> vector<256x2048xf32>
      %get3A_62 = arith.constant 0 : index
      %get3A_63 = arith.constant 0 : index
      %get3A_64 = vector.load %arg12[%get3A_62, %get3A_63] : memref<256x2048xf32, #tpu.memory_space<vmem>>, vector<256x2048xf32>
      %get3A_65 = arith.constant 0 : index
      %get3A_66 = arith.constant 0 : index
      %get3A_67 = vector.load %arg9[%get3A_65, %get3A_66] : memref<1x2048xf32, #tpu.memory_space<vmem>>, vector<1x2048xf32>
      %add3A_68 = vector.broadcast %get3A_67 : vector<1x2048xf32> to vector<256x2048xf32>
      %add3A_69 = arith.addf %dot_general3A_61, %add3A_68 : vector<256x2048xf32>
      %mul3A_70 = vector.broadcast %convert_element_type3A_56 : vector<256x1xf32> to vector<256x2048xf32>
      %mul3A_71 = arith.mulf %mul3A_70, %add3A_69 : vector<256x2048xf32>
      %add3A_72 = arith.addf %get3A_64, %mul3A_71 : vector<256x2048xf32>
      %swap3A_73 = arith.constant 0 : index
      %swap3A_74 = arith.constant 0 : index
      %swap3A_75 = vector.load %arg12[%swap3A_73, %swap3A_74] : memref<256x2048xf32, #tpu.memory_space<vmem>>, vector<256x2048xf32>
      tpu.vector_store %arg12[%swap3A_73, %swap3A_74], %add3A_72 {strides = array<i32>} : memref<256x2048xf32, #tpu.memory_space<vmem>>, vector<256x2048xf32>,
    } else {
    }
    %get3A_24 = arith.constant 0 : index
    %get3A_25 = arith.constant 0 : index
    %get3A_26 = arith.constant 0 : index
    %get3A_27 = vector.load %arg3[%get3A_24, %get3A_25, %get3A_26] : memref<1x1x256xi32, #tpu.memory_space<vmem>>, vector<1x1x256xi32>
    %get3A_28 = vector.shape_cast %get3A_27 : vector<1x1x256xi32> to vector<256xi32>
    %broadcast_in_dim3A_29 = vector.shape_cast %get3A_28 : vector<256xi32> to vector<256x1xi32>
    %iota3A_30 = tpu.iota {dimensions = array<i32: 1>} : vector<256x64xi32>
    %eq3A = vector.broadcast %broadcast_in_dim3A_29 : vector<256x1xi32> to vector<256x64xi32>
    %eq3A_31 = arith.cmpi eq, %eq3A, %iota3A_30 : vector<256x64xi32>
    %convert_element_type3A_32 = arith.extui %eq3A_31 : vector<256x64xi1> to vector<256x64xi32>
    %convert_element_type3A_33 = arith.sitofp %convert_element_type3A_32 : vector<256x64xi32> to vector<256x64xf32>
    %get3A_34 = arith.constant 0 : index
    %get3A_35 = arith.constant 0 : index
    %get3A_36 = vector.load %arg10[%get3A_34, %get3A_35] : memref<64x2048xf32, #tpu.memory_space<vmem>>, vector<64x2048xf32>
    %dot_general3A = arith.constant dense<0.000000e+00> : vector<256x2048xf32>
    %dot_general3A_37 = tpu.matmul %convert_element_type3A_33, %get3A_36, %dot_general3A {dimension_numbers = #tpu.dot_dimension_numbers<[1], [0], [0], [1], [0, 0, 1, 1], [], []>, transpose_lhs_hint = false} : vector<256x64xf32>, vector<64x2048xf32>, vector<256x2048xf32> -> vector<256x2048xf32>
    %get3A_38 = arith.constant 0 : index
    %get3A_39 = arith.constant 0 : index
    %get3A_40 = vector.load %arg11[%get3A_38, %get3A_39] : memref<64x2048xf32, #tpu.memory_space<vmem>>, vector<64x2048xf32>
    %dot_general3A_41 = arith.constant dense<0.000000e+00> : vector<256x2048xf32>
    %dot_general3A_42 = tpu.matmul %convert_element_type3A_33, %get3A_40, %dot_general3A_41 {dimension_numbers = #tpu.dot_dimension_numbers<[1], [0], [0], [1], [0, 0, 1, 1], [], []>, transpose_lhs_hint = false} : vector<256x64xf32>, vector<64x2048xf32>, vector<256x2048xf32> -> vector<256x2048xf32>
    %get3A_43 = arith.constant 0 : index
    %get3A_44 = arith.constant 0 : index
    %get3A_45 = vector.load %arg12[%get3A_43, %get3A_44] : memref<256x2048xf32, #tpu.memory_space<vmem>>, vector<256x2048xf32>
    %add3A_46 = arith.constant 1.000000e+00 : f32
    %add3A_47 = vector.broadcast %add3A_46 : f32 to vector<256x2048xf32>
    %add3A_48 = arith.addf %add3A_47, %dot_general3A_37 : vector<256x2048xf32>
    %mul3A_49 = arith.mulf %get3A_45, %add3A_48 : vector<256x2048xf32>
    %add3A_50 = arith.addf %mul3A_49, %dot_general3A_42 : vector<256x2048xf32>
    %swap3A_51 = arith.constant 0 : index
    %swap3A_52 = arith.constant 0 : index
    %swap3A_53 = vector.load %arg12[%swap3A_51, %swap3A_52] : memref<256x2048xf32, #tpu.memory_space<vmem>>, vector<256x2048xf32>
    tpu.vector_store %arg12[%swap3A_51, %swap3A_52], %add3A_50 {strides = array<i32>} : memref<256x2048xf32, #tpu.memory_space<vmem>>, vector<256x2048xf32>,
    return
  }
  func.func @transform_0(%arg0: i32, %arg1: memref<2xi32, #tpu.memory_space<smem>>) -> (i32, i32) {
    %c0_i32 = arith.constant 0 : i32
    %c0_i32_0 = arith.constant 0 : i32
    return %arg0, %c0_i32 : i32, i32
  }
  func.func @transform_1(%arg0: i32, %arg1: memref<2xi32, #tpu.memory_space<smem>>) -> (i32, i32, i32) {
    %c0_i32 = arith.constant 0 : i32
    %c0_i32_0 = arith.constant 0 : i32
    %c0_i32_1 = arith.constant 0 : i32
    return %arg0, %c0_i32, %c0_i32_0 : i32, i32, i32
  }
  func.func @transform_2(%arg0: i32, %arg1: memref<2xi32, #tpu.memory_space<smem>>) -> (i32, i32) {
    %c0_i32 = arith.constant 0 : i32
    %c0_i32_0 = arith.constant 0 : i32
    %c0_i32_1 = arith.constant 0 : i32
    return %c0_i32, %c0_i32_0 : i32, i32
  }
  func.func @transform_3(%arg0: i32, %arg1: memref<2xi32, #tpu.memory_space<smem>>) -> (i32, i32) {
    %c0_i32 = arith.constant 0 : i32
    %c0_i32_0 = arith.constant 0 : i32
    %c0_i32_1 = arith.constant 0 : i32
    return %c0_i32, %c0_i32_0 : i32, i32
  }
  func.func @transform_4(%arg0: i32, %arg1: memref<2xi32, #tpu.memory_space<smem>>) -> (i32, i32) {
    %c0_i32 = arith.constant 0 : i32
    %c0_i32_0 = arith.constant 0 : i32
    %c0_i32_1 = arith.constant 0 : i32
    return %c0_i32, %c0_i32_0 : i32, i32
  }
  func.func @transform_5(%arg0: i32, %arg1: memref<2xi32, #tpu.memory_space<smem>>) -> (i32, i32) {
    %c0_i32 = arith.constant 0 : i32
    %c0_i32_0 = arith.constant 0 : i32
    %c0_i32_1 = arith.constant 0 : i32
    return %c0_i32, %c0_i32_0 : i32, i32
  }
  func.func @transform_6(%arg0: i32, %arg1: memref<2xi32, #tpu.memory_space<smem>>) -> (i32, i32) {
    %c0_i32 = arith.constant 0 : i32
    %c0_i32_0 = arith.constant 0 : i32
    %c0_i32_1 = arith.constant 0 : i32
    return %c0_i32, %c0_i32_0 : i32, i32
  }
  func.func @transform_7(%arg0: i32, %arg1: memref<2xi32, #tpu.memory_space<smem>>) -> (i32, i32) {
    %c0_i32 = arith.constant 0 : i32
    %c0_i32_0 = arith.constant 0 : i32
    %c0_i32_1 = arith.constant 0 : i32
    return %c0_i32, %c0_i32_0 : i32, i32
  }
  func.func @transform_8(%arg0: i32, %arg1: memref<2xi32, #tpu.memory_space<smem>>) -> (i32, i32) {
    %c0_i32 = arith.constant 0 : i32
    %c0_i32_0 = arith.constant 0 : i32
    %c0_i32_1 = arith.constant 0 : i32
    return %c0_i32, %c0_i32_0 : i32, i32
  }
  func.func @transform_9(%arg0: i32, %arg1: memref<2xi32, #tpu.memory_space<smem>>) -> (i32, i32) {
    %c0_i32 = arith.constant 0 : i32
    %c0_i32_0 = arith.constant 0 : i32
    %c0_i32_1 = arith.constant 0 : i32
    return %c0_i32, %c0_i32_0 : i32, i32
  }
  func.func @transform_10(%arg0: i32, %arg1: memref<2xi32, #tpu.memory_space<smem>>) -> (i32, i32) {
    %c0_i32 = arith.constant 0 : i32
    %c0_i32_0 = arith.constant 0 : i32
    return %arg0, %c0_i32 : i32, i32
  }
}

</mosaic_0001>

<sc_bundles>
// kernel: kernel.6.cloned.1.call-start
scs
__scs_entry_jumppad:
0x0: {  	(pc) =	sbr.rel $0x88, $3  }
0x1: {  	(tag) =	ssettag $0x0;
	lr =	simm.s32 $0x1  }
0x2: {  	[smem:$0x3F93] =	sst lr;
	_ =	strace $0xD0000000  }
0x3: {  	_ = 	snop  }
0x4: {  	_ = 	snop  }
0x5: {  	_ = 	snop  }
0x6: {  	_ = 	snop  }
0x7: {  	_ = 	snop  }
__scs_overlays_trampoline_lowered:
0x8: {  	[smem:$0x3FA2] =	sst s0  }
0x9: {  	[smem:$0x3FA3] =	sst s1  }
0xa: {  	[smem:$0x3FA4] =	sst s2  }
0xb: {  	[smem:$0x3FA5] =	sst s3  }
0xc: {  	[smem:$0x3FA6] =	sst s4  }
0xd: {  	[smem:$0x3FA7] =	sst s5  }
0xe: {  	[smem:$0x3FA8] =	sst s6  }
0xf: {  	[smem:$0x3FA9] =	sst s7  }
0x10: {  	[smem:$0x3FAA] =	sst s8  }
0x11: {  	[smem:$0x3FAB] =	sst s9;
	s0 =	simm.s32 @!p0 $0x0  }
0x12: {  	s1 =	sld [smem:$0x3F91];
	s0 =	simm.s32 @p0 $0x1  }
0x13: {  	[smem:$0x3FAC] =	sst s0;
	s0 =	simm.s32 @!p1 $0x0  }
0x14: {  	s2 =	sld [smem:$0x3F90];
	s0 =	simm.s32 @p1 $0x1  }
0x15: {  	[smem:$0x3FAD] =	sst s0;
	s0 =	simm.s32 @!p2 $0x0  }
0x16: {  	s3 =	sld [smem:$0x3FDB];
	s0 =	simm.s32 @p2 $0x1  }
0x17: {  	s4 =	simm.s32 $0x1BF5;
	[smem:$0x3FAF] =	sst s0  }
0x18: {  	s0 =	sld [smem:$0x3F92];
	_ =	swait.ge [sflag:s4], $0x0  }
0x19: {  	s7 =	sld [smem:$0x3F93]  }
0x1a: {  	s8 =	sadd.s32 $0xFFFFE003, lr  }
0x1b: {  	s9 =	sadd.s32 $0xFFFFFEF7, lr;
	s5 =	simm.s32 $0xFFFFFFFF;
	p2 =	slt.u32 s8, $0xFFFFF086  }
0x1c: {  	p1 =	slt.u32 s9, $0xF7A;
	s5 =	simm.s32 @!p2 $0x0  }
0x1d: {  	s5 =	simm.s32 @p1 $0x1;
	p0 =	seq.s32 s7, s2  }
0x1e: {  	s7 =	smul.u32 @!p0 $0xF7A, s2;
	p2 =	seq.s32 @!p0 s5, $0x0  }
0x1f: {  	s9 =	smul.u32 $0xF7A, s1;
	s8 =	simm.s32 @!p0 $0x1BF5;
	p2 =	por !p2, p0  }
0x20: {  	[sflag:s8] =	ssyncset.s32 @!p0 $0xFFFFF086;
	s6 =	sadd.s32 @!p0 s3, s7;
	s7 =	simm.s32 @!p0 $0x108  }
0x21: {  	s3 =	sadd.s32 s3, s9;
	s6 =	sadd.s32 @!p0 $0x88, s6;
	s7 =	simm.s32 @p2 $0x1082  }
0x22: {  	[simem:s7], [sflag:s8] =	dma.local @!p0 [hbm:s6], $0xF7A  }
0x23: {  	s9 =	sor.u32 $0xD0000000, s2;
	s6 =	simm.s32 $0x108;
	_ =	swait.ge @!p0 [sflag:s8], $0x0  }
0x24: {  	s3 =	sadd.s32 $0x88, s3;
	s6 =	simm.s32 @!p1 $0x1082;
	[sflag:s4] =	ssyncset.s32 $0xFFFFF086  }
0x25: {  	[simem:s6], [sflag:s4] =	dma.local [hbm:s3], $0xF7A  }
0x26: {  	[smem:$0x3F93] =	sst s1;
	(tag) =	ssettag s2;
	_ =	strace s9  }
0x27: {  	s1 =	sld [smem:$0x3FA3]  }
0x28: {  	s2 =	sld [smem:$0x3FA4]  }
0x29: {  	s4 =	sld [smem:$0x3FA6]  }
0x2a: {  	p0 =	seq.s32 s5, $0x0;
	s5 =	sld [smem:$0x3FA7]  }
0x2b: {  	s6 =	sld [smem:$0x3FA8]  }
0x2c: {  	s7 =	sld [smem:$0x3FA9]  }
0x2d: {  	s3 =	simm.s32 $0x108;
	s8 =	sld [smem:$0x3FAA]  }
0x2e: {  	s3 =	simm.s32 @!p0 $0x1082;
	s9 =	sld [smem:$0x3FAB]  }
0x2f: {  	lr =	sadd.s32 s0, s3;
	s0 =	sld [smem:$0x3FA2]  }
0x30: {  	s3 =	sld [smem:$0x3FA5]  }
0x31: {  	[smem:$0x3FAE] =	sst s10  }
0x32: {  	s10 =	sld [smem:$0x3FAC];
	_ =	sdelay $0x3  }
0x33: {  	p0 =	seq.s32 s10, $0x1;
	s10 =	sld [smem:$0x3FAE];
	_ =	sdelay $0x3  }
0x34: {  	[smem:$0x3FAE] =	sst s10  }
0x35: {  	s10 =	sld [smem:$0x3FAD];
	_ =	sdelay $0x3  }
0x36: {  	p1 =	seq.s32 s10, $0x1;
	s10 =	sld [smem:$0x3FAE];
	_ =	sdelay $0x3  }
0x37: {  	[smem:$0x3FAE] =	sst s10  }
0x38: {  	s10 =	sld [smem:$0x3FAF]  }
0x39: {  	_ = 	snop;
	(pc) =	sbr.ind lr, $3  }
0x3a: {  	_ = 	snop  }
0x3b: {  	_ = 	snop  }
0x3c: {  	p2 =	seq.s32 s10, $0x1;
	s10 =	sld [smem:$0x3FAE]  }
0x3d: {  	_ =	shalt  }
0x3e: {  	_ =	shalt  }
0x3f: {  	_ =	shalt  }
0x40: {  	_ =	shalt  }
0x41: {  	_ =	shalt  }
0x42: {  	_ =	shalt  }
0x43: {  	_ =	shalt  }
0x44: {  	_ =	shalt  }
0x45: {  	_ =	shalt  }
0x46: {  	_ =	shalt  }
0x47: {  	_ =	shalt  }
0x48: {  	_ =	shalt  }
0x49: {  	_ =	shalt  }
0x4a: {  	_ =	shalt  }
0x4b: {  	_ =	shalt  }
0x4c: {  	_ =	shalt  }
0x4d: {  	_ =	shalt  }
0x4e: {  	_ =	shalt  }
0x4f: {  	_ =	shalt  }
0x50: {  	_ =	shalt  }
0x51: {  	_ =	shalt  }
0x52: {  	_ =	shalt  }
0x53: {  	_ =	shalt  }
0x54: {  	_ =	shalt  }
0x55: {  	_ =	shalt  }
0x56: {  	_ =	shalt  }
0x57: {  	_ =	shalt  }
0x58: {  	_ =	shalt  }
0x59: {  	_ =	shalt  }
0x5a: {  	_ =	shalt  }
0x5b: {  	_ =	shalt  }
0x5c: {  	_ =	shalt  }
0x5d: {  	_ =	shalt  }
0x5e: {  	_ =	shalt  }
0x5f: {  	_ =	shalt  }
0x60: {  	_ =	shalt  }
0x61: {  	_ =	shalt  }
0x62: {  	_ =	shalt  }
0x63: {  	_ =	shalt  }
0x64: {  	_ =	shalt  }
0x65: {  	_ =	shalt  }
0x66: {  	_ =	shalt  }
0x67: {  	_ =	shalt  }
0x68: {  	_ =	shalt  }
0x69: {  	_ =	shalt  }
0x6a: {  	_ =	shalt  }
0x6b: {  	_ =	shalt  }
0x6c: {  	_ =	shalt  }
0x6d: {  	_ =	shalt  }
0x6e: {  	_ =	shalt  }
0x6f: {  	_ =	shalt  }
0x70: {  	_ =	shalt  }
0x71: {  	_ =	shalt  }
0x72: {  	_ =	shalt  }
0x73: {  	_ =	shalt  }
0x74: {  	_ =	shalt  }
0x75: {  	_ =	shalt  }
0x76: {  	_ =	shalt  }
0x77: {  	_ =	shalt  }
0x78: {  	_ =	shalt  }
0x79: {  	_ =	shalt  }
0x7a: {  	_ =	shalt  }
0x7b: {  	_ =	shalt  }
0x7c: {  	_ =	shalt  }
0x7d: {  	_ =	shalt  }
0x7e: {  	_ =	shalt  }
0x7f: {  	_ =	shalt  }
0x80: {  	_ =	shalt  }
0x81: {  	_ =	shalt  }
0x82: {  	_ =	shalt  }
0x83: {  	_ =	shalt  }
0x84: {  	_ =	shalt  }
0x85: {  	_ =	shalt  }
0x86: {  	_ =	shalt  }
0x87: {  	_ =	shalt  }
.Lfunc_end0:
.L_simem_size_0:
called_computation.2_lowered:
.L_overlay_start_0:
0x88: {  	s2 =	sld [smem:$0x3FD9]  }
0x89: {  	s3 =	sld [smem:$0x3FFE];
	_ =	sdelay $0x1  }
0x8a: {  	s1 =	srdreg.scid  }
0x8b: {  	s0 =	sand.u32 $0x1, s1  }
0x8c: {  	s17 =	sshll.u32 s0, $0xA;
	s2 =	sadd.s32 s3, s2  }
0x8d: {  	s2 =	sadd.s32 s2, s17  }
0x8e: {  	[smem:$0x3FBA] =	sst s2  }
0x8f: {  	_ = 	snop  }
0x90: {  	s2 =	sld [smem:$0x3FC7];
	(tm) =	ssettm $0x1  }
0x91: {  	s18 =	sld [smem:$0x3FFB];
	_ =	sdelay $0x3  }
0x92: {  	_ =	strace s18  }
0x93: {  	s3 =	sld [smem:$0x3FFC];
	_ =	sdelay $0x3  }
0x94: {  	_ =	strace s3  }
0x95: {  	s3 =	sld [smem:$0x3FFD];
	_ =	sdelay $0x3  }
0x96: {  	_ =	strace s3  }
0x97: {  	_ =	strace $0x8FFFFFFF  }
0x98: {  	s19 =	sld [smem:$0x3FDB];
	_ =	sdelay $0x1  }
0x99: {  	s4 =	simm.s32 $_scs_section_size  }
0x9a: {  	s5 =	simm.s32 $_size__tile_overlayer_lowered;
	s6 =	simm.s32 $_tile_overlayer_lowered  }
0x9b: {  	s22 =	simm.s32 $0x1BFF;
	s21 =	sshll.u32 s6, $0x1;
	s3 =	sadd.s32 s4, s19  }
0x9c: {  	s7 =	simm.s32 $0x0;
	s20 =	sshll.u32 s5, $0x1;
	s5 =	sadd.s32 s21, s3  }
0x9d: {  	[timem:s7], [sflag:s22] =	dma.local [hbm:s5], s20  }
0x9e: {  	_ =	swait.ge [sflag:s22], s20  }
0x9f: {  	s4 =	ssub.s32 $0x0, s20;
	[sflag:s22] =	ssyncset.done $0x0  }
0xa0: {  	[sflag:s22] =	ssyncadd.s32 s4;
	_ =	sdelay $0x1  }
0xa1: {  	s23 =	simm.s32 $0x1B8B  }
0xa2: {  	_ =	swait.ge [sflag:s23], $0x1  }
0xa3: {  	[sflag:s23] =	ssyncset.done $0x0  }
0xa4: {  	s25 =	simm.s32 $0x1B8E;
	s24 =	sld [smem:$0x3FFE];
	[sflag:s23] =	ssyncadd.s32 $0xFFFFFFFF  }
0xa5: {  	s26 =	simm.s32 $execute0_lowered;
	[smem:$0x3FD2] =	sst s25  }
0xa6: {  	s5 =	sshll.u32 s26, $0x1;
	_ =	strace $0x80000049;
	[dreg:$0x1] =	wrdreg $0xFFFFFFFF  }
0xa7: {  	s28 =	simm.s32 $_size_execute0_lowered;
	s3 =	sadd.s32 s3, s5;
	[dreg:$0x0] =	wrdreg $0x0  }
0xa8: {  	s5 =	sshll.u32 s28, $0x1;
	[dreg:$0x2] =	wrdreg s3  }
0xa9: {  	[dreg:$0x3] =	wrdreg s5  }
0xaa: {  	[dreg:$0x4] =	wrdreg $0xC0  }
0xab: {  	_ =	task [dreg:s7], $0x5FFFF  }
0xac: {  	[dreg:$0x1] =	wrdreg $0xFFFFFFFF  }
0xad: {  	[dreg:$0x0] =	wrdreg $0x60  }
0xae: {  	[dreg:$0x2] =	wrdreg s24  }
0xaf: {  	[dreg:$0x3] =	wrdreg s2  }
0xb0: {  	[dreg:$0x4] =	wrdreg $0x9  }
0xb1: {  	_ =	task.clear_ibuf [dreg:s7], $0x5FFFF;
	_ =	strace $0x90000049  }
0xb2: {  	s29 =	simm.s32 $0x9;
	_ =	strace $0x8000004B  }
0xb3: {  	_ =	swait.ge [sflag:s29], $0x1  }
0xb4: {  	[sflag:s29] =	ssyncadd.s32 $0xFFFFFFFF  }
0xb5: {  	_ =	strace $0x9000004B  }
0xb6: {  	_ =	sfence  }
0xb7: {  	s30 =	sld [smem:$0x0];
	_ =	sdelay $0x2  }
0xb8: {  	s31 =	sshll.u32 s1, $0xD;
	s1 =	sshrl.u32 s1, $0x2  }
0xb9: {  	s3 =	sand.u32 $0x4000, s31;
	s1 =	sadd.s32 s1, s30  }
0xba: {  	s0 =	sor.u32 s3, s0;
	s1 =	sshll.u32 s1, $0x11  }
0xbb: {  	s0 =	sor.u32 s1, s0  }
0xbc: {  	s0 =	sadd.s32 $0x8F2B, s0  }
0xbd: {  	[sflag:s0] =	ssyncadd.remote.s32 $0x1  }
0xbe: {  	_ =	sfence.sel $0xFFFF  }
0xbf: {  	[dreg:$0x0] =	wrdreg $0xFFFFFFFF;
	(pc) =	sbr.abs _section_cstart, $3  }
0xc0: {  	[dreg:$0x1] =	wrdreg $0xFFFFFFFF  }
0xc1: {  	_ =	task.clear_ibuf [dreg:s7], $0x2FFFF;
	_ =	strace $0x9FFFFFFF  }
0xc2: {  	(tm) =	ssettm $0x7FFFFFFF  }
0xc3: {  	_ =	shalt  }
tec
execute0_lowered:
.L_overlay_start_1:
0x0: {  	(tag) =	ssettag $0x1  }
0x1: {  	s1 =	rddreg [dreg:$0x0]  }
0x2: {  	s4 =	simm.s32 $0x0;
	s0 =	srdreg.scid;
	s3 =	stileid.u32  }
0x3: {  	s19 =	simm.s32 $0x1;
	s28 =	simm.s32 $0x2080;
	s29 =	simm.s32 $0x2880  }
0x4: {  	s30 =	simm.s32 $0x3080;
	s31 =	simm.s32 $0x3880;
	s11 =	simm.s32 $0x5880  }
0x5: {  	s12 =	simm.s32 $0x6080;
	s13 =	simm.s32 $0x6880;
	s14 =	simm.s32 $0x7080  }
0x6: {  	s15 =	simm.s32 $0x7880;
	s16 =	simm.s32 $0x8080;
	s17 =	simm.s32 $0x8880  }
0x7: {  	s18 =	simm.s32 $0x9080;
	s10 =	simm.s32 $0xA080;
	[smem:$0x7FF] =	sst s4  }
0x8: {  	s0 =	sand.u32 $0x1, s0;
	s2 =	sadd.s32 $0x100600, s1;
	s3 =	sshll.u32 s3, $0x8  }
0x9: {  	s6 =	sadd.s32 $0x80000, s1;
	s7 =	sadd.s32 $0x100800, s1;
	s5 =	sshll.u32 s0, $0x7  }
0xa: {  	_ =	strace $0x8000004A;
	s0 =	ssub.s32 $0x2, s0;
	s3 =	sor.u32 s5, s3  }
0xb: {  	s20 =	sshrl.u32 s0, $0x1;
	s5 =	sadd.s32 $0x100, s1;
	s8 =	sshrl.u32 s3, $0x3  }
0xc: {  	s0 =	ssub.s32 s0, s20;
	s9 =	sshll.u32 s3, $0x7;
	s3 =	sor.u32 $0x40, s3  }
0xd: {  	s20 =	simm.s32 $0x9880;
	s21 =	sadd.s32 s2, s8;
	s22 =	sadd.s32 s6, s9  }
0xe: {  	s23 =	sadd.s32 s7, s8;
	s24 =	sshrl.u32 s3, $0x3;
	[dreg:$0x3] =	wrdreg s21  }
0xf: {  	s3 =	sshll.u32 s3, $0x7;
	s8 =	smax.u32 s0, $0x1;
	[dreg:$0x4] =	wrdreg s22  }
0x10: {  	s9 =	simm.s32 $0x2;
	[dreg:$0x5] =	wrdreg s23;
	s2 =	sadd.s32 s2, s24  }
0x11: {  	s25 =	sadd.s32 s6, s3;
	s6 =	sadd.s32 $0x200, s1;
	[dreg:$0x6] =	wrdreg s2  }
0x12: {  	v2 =	vlaneseq.u32;
	s26 =	sadd.s32 s7, s24;
	s7 =	sadd.s32 $0x300, s1;
	[dreg:$0x7] =	wrdreg s25  }
0x13: {  	vm0 =	vmmov $0xffff;
	v1 =	vshrl.u32 v2, $0x3;
	s21 =	simm.s32 $0x80;
	s24 =	simm.s32 $0x880;
	[dreg:$0x8] =	wrdreg s26  }
0x14: {  	v0 =	vand.u32 $0x7, v2;
	v2 =	vor.u32 $0x8, v2;
	v1 =	vmul.u32 $0x8, v1;
	s25 =	simm.s32 $0x1080;
	s26 =	simm.s32 $0x1880;
	s2 =	simm.s32 $0x40  }
.LBB2_1:
0x15: {  	s22 =	rddreg [dreg:$0x3]  }
0x16: {  	[tilespmem:s4], [sflag:$0x2] =	stream.linear.gather [hbm4b:s22+s4], $0x40, $0x38;
	[tilespmem:$0x10100] =	vst v63  }
0x17: {  	_ =	swait.ge [sflag:s9], $0x40  }
0x18: {  	[sflag:s9] =	ssyncset.done $0x0  }
0x19: {  	[sflag:s9] =	ssyncadd.s32 $0xFFFFFFC0  }
0x1a: {  	v3 =	vld [tilespmem:$0x0];
	_ =	sdelay $0x4  }
0x1b: {  	v4 =	vshll.u32 v3, $0x3  }
0x1c: {  	v3 =	vand.u32 $0x7, v3;
	v4 =	vand.u32 $0xFFFFFFC0, v4  }
0x1d: {  	v3 =	vor.u32 v3, v4  }
0x1e: {  	v4 =	vperm.xlane v3, v0;
	_ =	sdelay $0x1  }
0x1f: {  	v4 =	vadd.s32 v1, v4;
	_ =	sdelay $0x4  }
0x20: {  	[tilespmem:s21], [sflag:$0x1] =	stream.indirect_vreg.gather [hbm4b:s1+s4], $0x80, v4, vm0, $0xb8;
	[tilespmem:$0x10100] =	vst v63  }
0x21: {  	v3 =	vperm.xlane v3, v2  }
0x22: {  	[tilespmem:s24], [sflag:$0x1] =	stream.indirect_vreg.gather [hbm4b:s5+s4], $0x80, v4, vm0, $0xb8;
	[tilespmem:$0x10100] =	vst v63  }
0x23: {  	v3 =	vadd.s32 v1, v3  }
0x24: {  	[tilespmem:s25], [sflag:$0x1] =	stream.indirect_vreg.gather [hbm4b:s6+s4], $0x80, v4, vm0, $0xb8;
	[tilespmem:$0x10100] =	vst v63  }
0x25: {  	_ = 	snop  }
0x26: {  	[tilespmem:s26], [sflag:$0x1] =	stream.indirect_vreg.gather [hbm4b:s7+s4], $0x80, v4, vm0, $0xb8;
	[tilespmem:$0x10100] =	vst v63  }
0x27: {  	_ = 	snop  }
0x28: {  	[tilespmem:s28], [sflag:$0x1] =	stream.indirect_vreg.gather [hbm4b:s1+s4], $0x80, v3, vm0, $0xb8;
	[tilespmem:$0x10100] =	vst v63  }
0x29: {  	_ = 	snop  }
0x2a: {  	[tilespmem:s29], [sflag:$0x1] =	stream.indirect_vreg.gather [hbm4b:s5+s4], $0x80, v3, vm0, $0xb8;
	[tilespmem:$0x10100] =	vst v63  }
0x2b: {  	_ = 	snop  }
0x2c: {  	[tilespmem:s30], [sflag:$0x1] =	stream.indirect_vreg.gather [hbm4b:s6+s4], $0x80, v3, vm0, $0xb8;
	[tilespmem:$0x10100] =	vst v63  }
0x2d: {  	_ = 	snop  }
0x2e: {  	[tilespmem:s31], [sflag:$0x1] =	stream.indirect_vreg.gather [hbm4b:s7+s4], $0x80, v3, vm0, $0xb8;
	[tilespmem:$0x10100] =	vst v63  }
0x2f: {  	v3 =	vld [tilespmem:$0x10];
	_ =	sdelay $0x4  }
0x30: {  	v57 =	vshll.u32 v3, $0x3  }
0x31: {  	v3 =	vand.u32 $0x7, v3;
	v4 =	vand.u32 $0xFFFFFFC0, v57  }
0x32: {  	v3 =	vor.u32 v3, v4  }
0x33: {  	v4 =	vperm.xlane v3, v0;
	_ =	sdelay $0x1  }
0x34: {  	v4 =	vadd.s32 v1, v4;
	_ =	sdelay $0x3  }
0x35: {  	s0 =	simm.s32 $0x4080  }
0x36: {  	[tilespmem:s0], [sflag:$0x1] =	stream.indirect_vreg.gather [hbm4b:s1+s4], $0x80, v4, vm0, $0xb8;
	[tilespmem:$0x10100] =	vst v63  }
0x37: {  	s3 =	simm.s32 $0x4880;
	v3 =	vperm.xlane v3, v2  }
0x38: {  	[tilespmem:s3], [sflag:$0x1] =	stream.indirect_vreg.gather [hbm4b:s5+s4], $0x80, v4, vm0, $0xb8;
	[tilespmem:$0x10100] =	vst v63  }
0x39: {  	s22 =	simm.s32 $0x5080;
	v3 =	vadd.s32 v1, v3  }
0x3a: {  	[tilespmem:s22], [sflag:$0x1] =	stream.indirect_vreg.gather [hbm4b:s6+s4], $0x80, v4, vm0, $0xb8;
	[tilespmem:$0x10100] =	vst v63  }
0x3b: {  	_ = 	snop  }
0x3c: {  	[tilespmem:s11], [sflag:$0x1] =	stream.indirect_vreg.gather [hbm4b:s7+s4], $0x80, v4, vm0, $0xb8;
	[tilespmem:$0x10100] =	vst v63  }
0x3d: {  	_ = 	snop  }
0x3e: {  	[tilespmem:s12], [sflag:$0x1] =	stream.indirect_vreg.gather [hbm4b:s1+s4], $0x80, v3, vm0, $0xb8;
	[tilespmem:$0x10100] =	vst v63  }
0x3f: {  	_ = 	snop  }
0x40: {  	[tilespmem:s13], [sflag:$0x1] =	stream.indirect_vreg.gather [hbm4b:s5+s4], $0x80, v3, vm0, $0xb8;
	[tilespmem:$0x10100] =	vst v63  }
0x41: {  	_ = 	snop  }
0x42: {  	[tilespmem:s14], [sflag:$0x1] =	stream.indirect_vreg.gather [hbm4b:s6+s4], $0x80, v3, vm0, $0xb8;
	[tilespmem:$0x10100] =	vst v63  }
0x43: {  	_ = 	snop  }
0x44: {  	[tilespmem:s15], [sflag:$0x1] =	stream.indirect_vreg.gather [hbm4b:s7+s4], $0x80, v3, vm0, $0xb8;
	[tilespmem:$0x10100] =	vst v63  }
0x45: {  	v3 =	vld [tilespmem:$0x20];
	_ =	sdelay $0x4  }
0x46: {  	v58 =	vshll.u32 v3, $0x3  }
0x47: {  	v3 =	vand.u32 $0x7, v3;
	v4 =	vand.u32 $0xFFFFFFC0, v58  }
0x48: {  	v3 =	vor.u32 v3, v4  }
0x49: {  	v4 =	vperm.xlane v3, v0;
	_ =	sdelay $0x1  }
0x4a: {  	v4 =	vadd.s32 v1, v4;
	_ =	sdelay $0x4  }
0x4b: {  	[tilespmem:s16], [sflag:$0x1] =	stream.indirect_vreg.gather [hbm4b:s1+s4], $0x80, v4, vm0, $0xb8;
	[tilespmem:$0x10100] =	vst v63  }
0x4c: {  	v3 =	vperm.xlane v3, v2  }
0x4d: {  	[tilespmem:s17], [sflag:$0x1] =	stream.indirect_vreg.gather [hbm4b:s5+s4], $0x80, v4, vm0, $0xb8;
	[tilespmem:$0x10100] =	vst v63  }
0x4e: {  	v3 =	vadd.s32 v1, v3  }
0x4f: {  	[tilespmem:s18], [sflag:$0x1] =	stream.indirect_vreg.gather [hbm4b:s6+s4], $0x80, v4, vm0, $0xb8;
	[tilespmem:$0x10100] =	vst v63  }
0x50: {  	_ = 	snop  }
0x51: {  	[tilespmem:s20], [sflag:$0x1] =	stream.indirect_vreg.gather [hbm4b:s7+s4], $0x80, v4, vm0, $0xb8;
	[tilespmem:$0x10100] =	vst v63  }
0x52: {  	_ = 	snop  }
0x53: {  	[tilespmem:s10], [sflag:$0x1] =	stream.indirect_vreg.gather [hbm4b:s1+s4], $0x80, v3, vm0, $0xb8;
	[tilespmem:$0x10100] =	vst v63  }
0x54: {  	s23 =	simm.s32 $0xA880  }
0x55: {  	[tilespmem:s23], [sflag:$0x1] =	stream.indirect_vreg.gather [hbm4b:s5+s4], $0x80, v3, vm0, $0xb8;
	[tilespmem:$0x10100] =	vst v63  }
0x56: {  	s22 =	simm.s32 $0xB080  }
0x57: {  	[tilespmem:s22], [sflag:$0x1] =	stream.indirect_vreg.gather [hbm4b:s6+s4], $0x80, v3, vm0, $0xb8;
	[tilespmem:$0x10100] =	vst v63  }
0x58: {  	s23 =	simm.s32 $0xB880  }
0x59: {  	[tilespmem:s23], [sflag:$0x1] =	stream.indirect_vreg.gather [hbm4b:s7+s4], $0x80, v3, vm0, $0xb8;
	[tilespmem:$0x10100] =	vst v63  }
0x5a: {  	v3 =	vld [tilespmem:$0x30];
	_ =	sdelay $0x4  }
0x5b: {  	v59 =	vshll.u32 v3, $0x3  }
0x5c: {  	v3 =	vand.u32 $0x7, v3;
	v4 =	vand.u32 $0xFFFFFFC0, v59  }
0x5d: {  	v3 =	vor.u32 v3, v4  }
0x5e: {  	v4 =	vperm.xlane v3, v0;
	_ =	sdelay $0x1  }
0x5f: {  	v4 =	vadd.s32 v1, v4;
	_ =	sdelay $0x3  }
0x60: {  	s22 =	simm.s32 $0xC080  }
0x61: {  	[tilespmem:s22], [sflag:$0x1] =	stream.indirect_vreg.gather [hbm4b:s1+s4], $0x80, v4, vm0, $0xb8;
	[tilespmem:$0x10100] =	vst v63  }
0x62: {  	s23 =	simm.s32 $0xC880;
	v3 =	vperm.xlane v3, v2  }
0x63: {  	[tilespmem:s23], [sflag:$0x1] =	stream.indirect_vreg.gather [hbm4b:s5+s4], $0x80, v4, vm0, $0xb8;
	[tilespmem:$0x10100] =	vst v63  }
0x64: {  	v3 =	vadd.s32 v1, v3;
	s22 =	simm.s32 $0xD080  }
0x65: {  	[tilespmem:s22], [sflag:$0x1] =	stream.indirect_vreg.gather [hbm4b:s6+s4], $0x80, v4, vm0, $0xb8;
	[tilespmem:$0x10100] =	vst v63  }
0x66: {  	s23 =	simm.s32 $0xD880  }
0x67: {  	[tilespmem:s23], [sflag:$0x1] =	stream.indirect_vreg.gather [hbm4b:s7+s4], $0x80, v4, vm0, $0xb8;
	[tilespmem:$0x10100] =	vst v63  }
0x68: {  	s22 =	simm.s32 $0xE080  }
0x69: {  	[tilespmem:s22], [sflag:$0x1] =	stream.indirect_vreg.gather [hbm4b:s1+s4], $0x80, v3, vm0, $0xb8;
	[tilespmem:$0x10100] =	vst v63  }
0x6a: {  	s23 =	simm.s32 $0xE880  }
0x6b: {  	[tilespmem:s23], [sflag:$0x1] =	stream.indirect_vreg.gather [hbm4b:s5+s4], $0x80, v3, vm0, $0xb8;
	[tilespmem:$0x10100] =	vst v63  }
0x6c: {  	s22 =	simm.s32 $0xF080  }
0x6d: {  	[tilespmem:s22], [sflag:$0x1] =	stream.indirect_vreg.gather [hbm4b:s6+s4], $0x80, v3, vm0, $0xb8;
	[tilespmem:$0x10100] =	vst v63  }
0x6e: {  	s23 =	simm.s32 $0xF880  }
0x6f: {  	[tilespmem:s23], [sflag:$0x1] =	stream.indirect_vreg.gather [hbm4b:s7+s4], $0x80, v3, vm0, $0xb8;
	[tilespmem:$0x10100] =	vst v63  }
0x70: {  	_ =	swait.ge [sflag:s19], $0x10000  }
0x71: {  	[sflag:s19] =	ssyncset.done $0x0  }
0x72: {  	s0 =	rddreg [dreg:$0x4];
	[sflag:s19] =	ssyncadd.s32 $0xFFFF0000  }
0x73: {  	[hbm4b:s0+s4] =	stream.linear.scatter [tilespmem:s21], [sflag:$0x2], $0x10000, $0x38;
	[tilespmem:$0x10100] =	vst v63  }
0x74: {  	_ =	swait.ge [sflag:s9], $0x10000  }
0x75: {  	[sflag:s9] =	ssyncset.done $0x0  }
0x76: {  	[sflag:s9] =	ssyncadd.s32 $0xFFFF0000  }
0x77: {  	s0 =	simm.s32 $0x10080;
	s23 =	rddreg [dreg:$0x1]  }
0x78: {  	[tilespmem:s0], [sflag:$0x1] =	stream.indirect.gather [hbm4b:s23+s2], $0x1, s4, s2, $0xb8;
	[tilespmem:$0x10100] =	vst v63  }
0x79: {  	_ =	swait.ge [sflag:s19], $0x40  }
0x7a: {  	[sflag:s19] =	ssyncset.done $0x0  }
0x7b: {  	s22 =	rddreg [dreg:$0x5];
	[sflag:s19] =	ssyncadd.s32 $0xFFFFFFC0  }
0x7c: {  	[hbm4b:s22+s4] =	stream.linear.scatter [tilespmem:s0], [sflag:$0x2], $0x40, $0x38;
	[tilespmem:$0x10100] =	vst v63  }
0x7d: {  	_ =	swait.ge [sflag:s9], $0x40  }
0x7e: {  	[sflag:s9] =	ssyncset.done $0x0  }
0x7f: {  	s22 =	rddreg [dreg:$0x6];
	[sflag:s9] =	ssyncadd.s32 $0xFFFFFFC0  }
0x80: {  	[tilespmem:s4], [sflag:$0x2] =	stream.linear.gather [hbm4b:s22+s4], $0x40, $0x38;
	[tilespmem:$0x10100] =	vst v63  }
0x81: {  	_ =	swait.ge [sflag:s9], $0x40  }
0x82: {  	[sflag:s9] =	ssyncset.done $0x0  }
0x83: {  	[sflag:s9] =	ssyncadd.s32 $0xFFFFFFC0  }
0x84: {  	v3 =	vld [tilespmem:$0x0];
	_ =	sdelay $0x4  }
0x85: {  	v60 =	vshll.u32 v3, $0x3  }
0x86: {  	v3 =	vand.u32 $0x7, v3;
	v4 =	vand.u32 $0xFFFFFFC0, v60  }
0x87: {  	v3 =	vor.u32 v3, v4  }
0x88: {  	v4 =	vperm.xlane v3, v0;
	_ =	sdelay $0x1  }
0x89: {  	v4 =	vadd.s32 v1, v4;
	_ =	sdelay $0x4  }
0x8a: {  	[tilespmem:s21], [sflag:$0x1] =	stream.indirect_vreg.gather [hbm4b:s1+s4], $0x80, v4, vm0, $0xb8;
	[tilespmem:$0x10100] =	vst v63  }
0x8b: {  	v3 =	vperm.xlane v3, v2  }
0x8c: {  	[tilespmem:s24], [sflag:$0x1] =	stream.indirect_vreg.gather [hbm4b:s5+s4], $0x80, v4, vm0, $0xb8;
	[tilespmem:$0x10100] =	vst v63  }
0x8d: {  	v3 =	vadd.s32 v1, v3  }
0x8e: {  	[tilespmem:s25], [sflag:$0x1] =	stream.indirect_vreg.gather [hbm4b:s6+s4], $0x80, v4, vm0, $0xb8;
	[tilespmem:$0x10100] =	vst v63  }
0x8f: {  	_ = 	snop  }
0x90: {  	[tilespmem:s26], [sflag:$0x1] =	stream.indirect_vreg.gather [hbm4b:s7+s4], $0x80, v4, vm0, $0xb8;
	[tilespmem:$0x10100] =	vst v63  }
0x91: {  	_ = 	snop  }
0x92: {  	[tilespmem:s28], [sflag:$0x1] =	stream.indirect_vreg.gather [hbm4b:s1+s4], $0x80, v3, vm0, $0xb8;
	[tilespmem:$0x10100] =	vst v63  }
0x93: {  	_ = 	snop  }
0x94: {  	[tilespmem:s29], [sflag:$0x1] =	stream.indirect_vreg.gather [hbm4b:s5+s4], $0x80, v3, vm0, $0xb8;
	[tilespmem:$0x10100] =	vst v63  }
0x95: {  	_ = 	snop  }
0x96: {  	[tilespmem:s30], [sflag:$0x1] =	stream.indirect_vreg.gather [hbm4b:s6+s4], $0x80, v3, vm0, $0xb8;
	[tilespmem:$0x10100] =	vst v63  }
0x97: {  	_ = 	snop  }
0x98: {  	[tilespmem:s31], [sflag:$0x1] =	stream.indirect_vreg.gather [hbm4b:s7+s4], $0x80, v3, vm0, $0xb8;
	[tilespmem:$0x10100] =	vst v63  }
0x99: {  	v3 =	vld [tilespmem:$0x10];
	_ =	sdelay $0x4  }
0x9a: {  	v61 =	vshll.u32 v3, $0x3  }
0x9b: {  	v3 =	vand.u32 $0x7, v3;
	v4 =	vand.u32 $0xFFFFFFC0, v61  }
0x9c: {  	v3 =	vor.u32 v3, v4  }
0x9d: {  	v4 =	vperm.xlane v3, v0;
	_ =	sdelay $0x1  }
0x9e: {  	v4 =	vadd.s32 v1, v4;
	_ =	sdelay $0x3  }
0x9f: {  	s22 =	simm.s32 $0x4080  }
0xa0: {  	[tilespmem:s22], [sflag:$0x1] =	stream.indirect_vreg.gather [hbm4b:s1+s4], $0x80, v4, vm0, $0xb8;
	[tilespmem:$0x10100] =	vst v63  }
0xa1: {  	v3 =	vperm.xlane v3, v2  }
0xa2: {  	[tilespmem:s3], [sflag:$0x1] =	stream.indirect_vreg.gather [hbm4b:s5+s4], $0x80, v4, vm0, $0xb8;
	[tilespmem:$0x10100] =	vst v63  }
0xa3: {  	v3 =	vadd.s32 v1, v3;
	s22 =	simm.s32 $0x5080  }
0xa4: {  	[tilespmem:s22], [sflag:$0x1] =	stream.indirect_vreg.gather [hbm4b:s6+s4], $0x80, v4, vm0, $0xb8;
	[tilespmem:$0x10100] =	vst v63  }
0xa5: {  	_ = 	snop  }
0xa6: {  	[tilespmem:s11], [sflag:$0x1] =	stream.indirect_vreg.gather [hbm4b:s7+s4], $0x80, v4, vm0, $0xb8;
	[tilespmem:$0x10100] =	vst v63  }
0xa7: {  	_ = 	snop  }
0xa8: {  	[tilespmem:s12], [sflag:$0x1] =	stream.indirect_vreg.gather [hbm4b:s1+s4], $0x80, v3, vm0, $0xb8;
	[tilespmem:$0x10100] =	vst v63  }
0xa9: {  	_ = 	snop  }
0xaa: {  	[tilespmem:s13], [sflag:$0x1] =	stream.indirect_vreg.gather [hbm4b:s5+s4], $0x80, v3, vm0, $0xb8;
	[tilespmem:$0x10100] =	vst v63  }
0xab: {  	_ = 	snop  }
0xac: {  	[tilespmem:s14], [sflag:$0x1] =	stream.indirect_vreg.gather [hbm4b:s6+s4], $0x80, v3, vm0, $0xb8;
	[tilespmem:$0x10100] =	vst v63  }
0xad: {  	_ = 	snop  }
0xae: {  	[tilespmem:s15], [sflag:$0x1] =	stream.indirect_vreg.gather [hbm4b:s7+s4], $0x80, v3, vm0, $0xb8;
	[tilespmem:$0x10100] =	vst v63  }
0xaf: {  	v3 =	vld [tilespmem:$0x20];
	_ =	sdelay $0x4  }
0xb0: {  	v62 =	vshll.u32 v3, $0x3  }
0xb1: {  	v3 =	vand.u32 $0x7, v3;
	v4 =	vand.u32 $0xFFFFFFC0, v62  }
0xb2: {  	v3 =	vor.u32 v3, v4  }
0xb3: {  	v4 =	vperm.xlane v3, v0;
	_ =	sdelay $0x1  }
0xb4: {  	v4 =	vadd.s32 v1, v4;
	_ =	sdelay $0x4  }
0xb5: {  	[tilespmem:s16], [sflag:$0x1] =	stream.indirect_vreg.gather [hbm4b:s1+s4], $0x80, v4, vm0, $0xb8;
	[tilespmem:$0x10100] =	vst v63  }
0xb6: {  	v3 =	vperm.xlane v3, v2  }
0xb7: {  	[tilespmem:s17], [sflag:$0x1] =	stream.indirect_vreg.gather [hbm4b:s5+s4], $0x80, v4, vm0, $0xb8;
	[tilespmem:$0x10100] =	vst v63  }
0xb8: {  	v3 =	vadd.s32 v1, v3  }
0xb9: {  	[tilespmem:s18], [sflag:$0x1] =	stream.indirect_vreg.gather [hbm4b:s6+s4], $0x80, v4, vm0, $0xb8;
	[tilespmem:$0x10100] =	vst v63  }
0xba: {  	_ = 	snop  }
0xbb: {  	[tilespmem:s20], [sflag:$0x1] =	stream.indirect_vreg.gather [hbm4b:s7+s4], $0x80, v4, vm0, $0xb8;
	[tilespmem:$0x10100] =	vst v63  }
0xbc: {  	_ = 	snop  }
0xbd: {  	[tilespmem:s10], [sflag:$0x1] =	stream.indirect_vreg.gather [hbm4b:s1+s4], $0x80, v3, vm0, $0xb8;
	[tilespmem:$0x10100] =	vst v63  }
0xbe: {  	s22 =	simm.s32 $0xA880  }
0xbf: {  	[tilespmem:s22], [sflag:$0x1] =	stream.indirect_vreg.gather [hbm4b:s5+s4], $0x80, v3, vm0, $0xb8;
	[tilespmem:$0x10100] =	vst v63  }
0xc0: {  	s22 =	simm.s32 $0xB080  }
0xc1: {  	[tilespmem:s22], [sflag:$0x1] =	stream.indirect_vreg.gather [hbm4b:s6+s4], $0x80, v3, vm0, $0xb8;
	[tilespmem:$0x10100] =	vst v63  }
0xc2: {  	s22 =	simm.s32 $0xB880  }
0xc3: {  	[tilespmem:s22], [sflag:$0x1] =	stream.indirect_vreg.gather [hbm4b:s7+s4], $0x80, v3, vm0, $0xb8;
	[tilespmem:$0x10100] =	vst v63  }
0xc4: {  	v3 =	vld [tilespmem:$0x30];
	_ =	sdelay $0x4  }
0xc5: {  	v63 =	vshll.u32 v3, $0x3  }
0xc6: {  	v3 =	vand.u32 $0x7, v3;
	v4 =	vand.u32 $0xFFFFFFC0, v63  }
0xc7: {  	v3 =	vor.u32 v3, v4  }
0xc8: {  	v4 =	vperm.xlane v3, v0;
	_ =	sdelay $0x1  }
0xc9: {  	v4 =	vadd.s32 v1, v4;
	_ =	sdelay $0x3  }
0xca: {  	s22 =	simm.s32 $0xC080  }
0xcb: {  	[tilespmem:s22], [sflag:$0x1] =	stream.indirect_vreg.gather [hbm4b:s1+s4], $0x80, v4, vm0, $0xb8;
	[tilespmem:$0x10100] =	vst v63  }
0xcc: {  	v3 =	vperm.xlane v3, v2;
	s22 =	simm.s32 $0xC880  }
0xcd: {  	[tilespmem:s22], [sflag:$0x1] =	stream.indirect_vreg.gather [hbm4b:s5+s4], $0x80, v4, vm0, $0xb8;
	[tilespmem:$0x10100] =	vst v63  }
0xce: {  	v3 =	vadd.s32 v1, v3;
	s22 =	simm.s32 $0xD080  }
0xcf: {  	[tilespmem:s22], [sflag:$0x1] =	stream.indirect_vreg.gather [hbm4b:s6+s4], $0x80, v4, vm0, $0xb8;
	[tilespmem:$0x10100] =	vst v63  }
0xd0: {  	s22 =	simm.s32 $0xD880  }
0xd1: {  	[tilespmem:s22], [sflag:$0x1] =	stream.indirect_vreg.gather [hbm4b:s7+s4], $0x80, v4, vm0, $0xb8;
	[tilespmem:$0x10100] =	vst v63  }
0xd2: {  	s22 =	simm.s32 $0xE080  }
0xd3: {  	[tilespmem:s22], [sflag:$0x1] =	stream.indirect_vreg.gather [hbm4b:s1+s4], $0x80, v3, vm0, $0xb8;
	[tilespmem:$0x10100] =	vst v63  }
0xd4: {  	s22 =	simm.s32 $0xE880  }
0xd5: {  	[tilespmem:s22], [sflag:$0x1] =	stream.indirect_vreg.gather [hbm4b:s5+s4], $0x80, v3, vm0, $0xb8;
	[tilespmem:$0x10100] =	vst v63  }
0xd6: {  	s22 =	simm.s32 $0xF080  }
0xd7: {  	[tilespmem:s22], [sflag:$0x1] =	stream.indirect_vreg.gather [hbm4b:s6+s4], $0x80, v3, vm0, $0xb8;
	[tilespmem:$0x10100] =	vst v63  }
0xd8: {  	s22 =	simm.s32 $0xF880  }
0xd9: {  	[tilespmem:s22], [sflag:$0x1] =	stream.indirect_vreg.gather [hbm4b:s7+s4], $0x80, v3, vm0, $0xb8;
	[tilespmem:$0x10100] =	vst v63  }
0xda: {  	_ =	swait.ge [sflag:s19], $0x10000  }
0xdb: {  	[sflag:s19] =	ssyncset.done $0x0  }
0xdc: {  	s3 =	rddreg [dreg:$0x7];
	[sflag:s19] =	ssyncadd.s32 $0xFFFF0000  }
0xdd: {  	[hbm4b:s3+s4] =	stream.linear.scatter [tilespmem:s21], [sflag:$0x2], $0x10000, $0x38;
	[tilespmem:$0x10100] =	vst v63  }
0xde: {  	_ =	swait.ge [sflag:s9], $0x10000  }
0xdf: {  	[sflag:s9] =	ssyncset.done $0x0  }
0xe0: {  	[sflag:s9] =	ssyncadd.s32 $0xFFFF0000  }
0xe1: {  	[tilespmem:s0], [sflag:$0x1] =	stream.indirect.gather [hbm4b:s23+s2], $0x1, s4, s2, $0xb8;
	[tilespmem:$0x10100] =	vst v63  }
0xe2: {  	_ =	swait.ge [sflag:s19], $0x40  }
0xe3: {  	p0 =	sne.s32 s8, $0x1;
	[sflag:s19] =	ssyncset.done $0x0  }
.Ltmp0:
0xe4: {  	s23 =	rddreg [dreg:$0x8];
	[sflag:s19] =	ssyncadd.s32 $0xFFFFFFC0;
	(pc) =	sbr.rel @p0 .LBB2_1-.Ltmp0, $4  }
0xe5: {  	[hbm4b:s23+s4] =	stream.linear.scatter [tilespmem:s0], [sflag:$0x2], $0x40, $0x38;
	[tilespmem:$0x10100] =	vst v63  }
0xe6: {  	_ =	swait.ge [sflag:s9], $0x40  }
0xe7: {  	[sflag:s9] =	ssyncset.done $0x0  }
0xe8: {  	s8 =	sadd.s32 $0xFFFFFFFF, s8;
	[sflag:s9] =	ssyncadd.s32 $0xFFFFFFC0  }
0xe9: {  	_ =	sfence.sel $0x180000  }
0xea: {  	[bflag:$0x0] =	sbarrier.arrive $0xFFFF  }
0xeb: {  	_ =	strace $0x9000004A  }
0xec: {  	s0 =	stileid.u32;
	[bflag:$0x2] =	sbarrier.arrive $0xFFFF  }
0xed: {  	p0 =	sne.s32 s0, $0x0;
	s0 =	rddreg [dreg:$0x2]  }
0xee: {  	s0 =	sadd.s32 @!p0 $0x100000, s0  }
0xef: {  	[sflag:s0] =	ssyncadd.tile.s32 @!p0 $0x1;
	_ =	shalt  }
.Lfunc_end2:
_tile_overlayer_lowered:
.L_overlay_start_2:
0xf0: {  	(tag) =	ssettag $0x2  }
0xf1: {  	s0 =	rddreg [dreg:$0x0];
	s2 =	stileid.u32  }
0xf2: {  	s1 =	rddreg [dreg:$0x1];
	p0 =	sne.s32 s2, $0x0  }
0xf3: {  	s3 =	rddreg [dreg:$0x2];
	[bflag:$0x3] =	sbarrier.arrive $0xFFFF;
	s2 =	simm.s32 @!p0 $0x1C02  }
0xf4: {  	[timem:s3], [sflag:s2] =	dma.local @!p0 [hbm:s0], s1  }
0xf5: {  	s0 =	simm.s32 @!p0 $0x2  }
0xf6: {  	_ =	swait.ge @!p0 [sflag:s0], s1  }
0xf7: {  	s1 =	ssub.s32 @!p0 $0x0, s1;
	[sflag:s0] =	ssyncset.done @!p0 $0x0  }
0xf8: {  	[sflag:s0] =	ssyncadd.s32 @!p0 s1  }
0xf9: {  	[bflag:$0x3] =	sbarrier.arrive $0xFFFF  }
0xfa: {  	_ =	shalt  }

// kernel: kernel.9.cloned.1.call-start
scs
__scs_entry_jumppad:
0x0: {  	(pc) =	sbr.rel $0x88, $3  }
0x1: {  	(tag) =	ssettag $0x0;
	lr =	simm.s32 $0x1  }
0x2: {  	[smem:$0x3F93] =	sst lr;
	_ =	strace $0xD0000000  }
0x3: {  	_ = 	snop  }
0x4: {  	_ = 	snop  }
0x5: {  	_ = 	snop  }
0x6: {  	_ = 	snop  }
0x7: {  	_ = 	snop  }
__scs_overlays_trampoline_lowered:
0x8: {  	[smem:$0x3FA2] =	sst s0  }
0x9: {  	[smem:$0x3FA3] =	sst s1  }
0xa: {  	[smem:$0x3FA4] =	sst s2  }
0xb: {  	[smem:$0x3FA5] =	sst s3  }
0xc: {  	[smem:$0x3FA6] =	sst s4  }
0xd: {  	[smem:$0x3FA7] =	sst s5  }
0xe: {  	[smem:$0x3FA8] =	sst s6  }
0xf: {  	[smem:$0x3FA9] =	sst s7  }
0x10: {  	[smem:$0x3FAA] =	sst s8  }
0x11: {  	[smem:$0x3FAB] =	sst s9;
	s0 =	simm.s32 @!p0 $0x0  }
0x12: {  	s1 =	sld [smem:$0x3F91];
	s0 =	simm.s32 @p0 $0x1  }
0x13: {  	[smem:$0x3FAC] =	sst s0;
	s0 =	simm.s32 @!p1 $0x0  }
0x14: {  	s2 =	sld [smem:$0x3F90];
	s0 =	simm.s32 @p1 $0x1  }
0x15: {  	[smem:$0x3FAD] =	sst s0;
	s0 =	simm.s32 @!p2 $0x0  }
0x16: {  	s3 =	sld [smem:$0x3FDB];
	s0 =	simm.s32 @p2 $0x1  }
0x17: {  	s4 =	simm.s32 $0x1BF5;
	[smem:$0x3FAF] =	sst s0  }
0x18: {  	s0 =	sld [smem:$0x3F92];
	_ =	swait.ge [sflag:s4], $0x0  }
0x19: {  	s7 =	sld [smem:$0x3F93]  }
0x1a: {  	s8 =	sadd.s32 $0xFFFFE003, lr  }
0x1b: {  	s9 =	sadd.s32 $0xFFFFFEF7, lr;
	s5 =	simm.s32 $0xFFFFFFFF;
	p2 =	slt.u32 s8, $0xFFFFF086  }
0x1c: {  	p1 =	slt.u32 s9, $0xF7A;
	s5 =	simm.s32 @!p2 $0x0  }
0x1d: {  	s5 =	simm.s32 @p1 $0x1;
	p0 =	seq.s32 s7, s2  }
0x1e: {  	s7 =	smul.u32 @!p0 $0xF7A, s2;
	p2 =	seq.s32 @!p0 s5, $0x0  }
0x1f: {  	s9 =	smul.u32 $0xF7A, s1;
	s8 =	simm.s32 @!p0 $0x1BF5;
	p2 =	por !p2, p0  }
0x20: {  	[sflag:s8] =	ssyncset.s32 @!p0 $0xFFFFF086;
	s6 =	sadd.s32 @!p0 s3, s7;
	s7 =	simm.s32 @!p0 $0x108  }
0x21: {  	s3 =	sadd.s32 s3, s9;
	s6 =	sadd.s32 @!p0 $0x88, s6;
	s7 =	simm.s32 @p2 $0x1082  }
0x22: {  	[simem:s7], [sflag:s8] =	dma.local @!p0 [hbm:s6], $0xF7A  }
0x23: {  	s9 =	sor.u32 $0xD0000000, s2;
	s6 =	simm.s32 $0x108;
	_ =	swait.ge @!p0 [sflag:s8], $0x0  }
0x24: {  	s3 =	sadd.s32 $0x88, s3;
	s6 =	simm.s32 @!p1 $0x1082;
	[sflag:s4] =	ssyncset.s32 $0xFFFFF086  }
0x25: {  	[simem:s6], [sflag:s4] =	dma.local [hbm:s3], $0xF7A  }
0x26: {  	[smem:$0x3F93] =	sst s1;
	(tag) =	ssettag s2;
	_ =	strace s9  }
0x27: {  	s1 =	sld [smem:$0x3FA3]  }
0x28: {  	s2 =	sld [smem:$0x3FA4]  }
0x29: {  	s4 =	sld [smem:$0x3FA6]  }
0x2a: {  	p0 =	seq.s32 s5, $0x0;
	s5 =	sld [smem:$0x3FA7]  }
0x2b: {  	s6 =	sld [smem:$0x3FA8]  }
0x2c: {  	s7 =	sld [smem:$0x3FA9]  }
0x2d: {  	s3 =	simm.s32 $0x108;
	s8 =	sld [smem:$0x3FAA]  }
0x2e: {  	s3 =	simm.s32 @!p0 $0x1082;
	s9 =	sld [smem:$0x3FAB]  }
0x2f: {  	lr =	sadd.s32 s0, s3;
	s0 =	sld [smem:$0x3FA2]  }
0x30: {  	s3 =	sld [smem:$0x3FA5]  }
0x31: {  	[smem:$0x3FAE] =	sst s10  }
0x32: {  	s10 =	sld [smem:$0x3FAC];
	_ =	sdelay $0x3  }
0x33: {  	p0 =	seq.s32 s10, $0x1;
	s10 =	sld [smem:$0x3FAE];
	_ =	sdelay $0x3  }
0x34: {  	[smem:$0x3FAE] =	sst s10  }
0x35: {  	s10 =	sld [smem:$0x3FAD];
	_ =	sdelay $0x3  }
0x36: {  	p1 =	seq.s32 s10, $0x1;
	s10 =	sld [smem:$0x3FAE];
	_ =	sdelay $0x3  }
0x37: {  	[smem:$0x3FAE] =	sst s10  }
0x38: {  	s10 =	sld [smem:$0x3FAF]  }
0x39: {  	_ = 	snop;
	(pc) =	sbr.ind lr, $3  }
0x3a: {  	_ = 	snop  }
0x3b: {  	_ = 	snop  }
0x3c: {  	p2 =	seq.s32 s10, $0x1;
	s10 =	sld [smem:$0x3FAE]  }
0x3d: {  	_ =	shalt  }
0x3e: {  	_ =	shalt  }
0x3f: {  	_ =	shalt  }
0x40: {  	_ =	shalt  }
0x41: {  	_ =	shalt  }
0x42: {  	_ =	shalt  }
0x43: {  	_ =	shalt  }
0x44: {  	_ =	shalt  }
0x45: {  	_ =	shalt  }
0x46: {  	_ =	shalt  }
0x47: {  	_ =	shalt  }
0x48: {  	_ =	shalt  }
0x49: {  	_ =	shalt  }
0x4a: {  	_ =	shalt  }
0x4b: {  	_ =	shalt  }
0x4c: {  	_ =	shalt  }
0x4d: {  	_ =	shalt  }
0x4e: {  	_ =	shalt  }
0x4f: {  	_ =	shalt  }
0x50: {  	_ =	shalt  }
0x51: {  	_ =	shalt  }
0x52: {  	_ =	shalt  }
0x53: {  	_ =	shalt  }
0x54: {  	_ =	shalt  }
0x55: {  	_ =	shalt  }
0x56: {  	_ =	shalt  }
0x57: {  	_ =	shalt  }
0x58: {  	_ =	shalt  }
0x59: {  	_ =	shalt  }
0x5a: {  	_ =	shalt  }
0x5b: {  	_ =	shalt  }
0x5c: {  	_ =	shalt  }
0x5d: {  	_ =	shalt  }
0x5e: {  	_ =	shalt  }
0x5f: {  	_ =	shalt  }
0x60: {  	_ =	shalt  }
0x61: {  	_ =	shalt  }
0x62: {  	_ =	shalt  }
0x63: {  	_ =	shalt  }
0x64: {  	_ =	shalt  }
0x65: {  	_ =	shalt  }
0x66: {  	_ =	shalt  }
0x67: {  	_ =	shalt  }
0x68: {  	_ =	shalt  }
0x69: {  	_ =	shalt  }
0x6a: {  	_ =	shalt  }
0x6b: {  	_ =	shalt  }
0x6c: {  	_ =	shalt  }
0x6d: {  	_ =	shalt  }
0x6e: {  	_ =	shalt  }
0x6f: {  	_ =	shalt  }
0x70: {  	_ =	shalt  }
0x71: {  	_ =	shalt  }
0x72: {  	_ =	shalt  }
0x73: {  	_ =	shalt  }
0x74: {  	_ =	shalt  }
0x75: {  	_ =	shalt  }
0x76: {  	_ =	shalt  }
0x77: {  	_ =	shalt  }
0x78: {  	_ =	shalt  }
0x79: {  	_ =	shalt  }
0x7a: {  	_ =	shalt  }
0x7b: {  	_ =	shalt  }
0x7c: {  	_ =	shalt  }
0x7d: {  	_ =	shalt  }
0x7e: {  	_ =	shalt  }
0x7f: {  	_ =	shalt  }
0x80: {  	_ =	shalt  }
0x81: {  	_ =	shalt  }
0x82: {  	_ =	shalt  }
0x83: {  	_ =	shalt  }
0x84: {  	_ =	shalt  }
0x85: {  	_ =	shalt  }
0x86: {  	_ =	shalt  }
0x87: {  	_ =	shalt  }
.Lfunc_end0:
.L_simem_size_0:
called_computation.3_lowered:
.L_overlay_start_0:
0x88: {  	s2 =	sld [smem:$0x3FD9]  }
0x89: {  	s3 =	sld [smem:$0x3FFE];
	_ =	sdelay $0x1  }
0x8a: {  	s1 =	srdreg.scid  }
0x8b: {  	s0 =	sand.u32 $0x1, s1  }
0x8c: {  	s17 =	sshll.u32 s0, $0xA;
	s2 =	sadd.s32 s3, s2  }
0x8d: {  	s2 =	sadd.s32 s2, s17  }
0x8e: {  	[smem:$0x3FBA] =	sst s2  }
0x8f: {  	_ = 	snop  }
0x90: {  	s2 =	sld [smem:$0x3FD0];
	(tm) =	ssettm $0x1  }
0x91: {  	s18 =	sld [smem:$0x3FFB];
	_ =	sdelay $0x3  }
0x92: {  	_ =	strace s18  }
0x93: {  	s3 =	sld [smem:$0x3FFC];
	_ =	sdelay $0x3  }
0x94: {  	_ =	strace s3  }
0x95: {  	s3 =	sld [smem:$0x3FFD];
	_ =	sdelay $0x3  }
0x96: {  	_ =	strace s3  }
0x97: {  	_ =	strace $0x8FFFFFFF  }
0x98: {  	s19 =	sld [smem:$0x3FDB];
	_ =	sdelay $0x1  }
0x99: {  	s4 =	simm.s32 $_scs_section_size  }
0x9a: {  	s5 =	simm.s32 $_size__tile_overlayer_lowered;
	s6 =	simm.s32 $_tile_overlayer_lowered  }
0x9b: {  	s22 =	simm.s32 $0x1BFF;
	s21 =	sshll.u32 s6, $0x1;
	s3 =	sadd.s32 s4, s19  }
0x9c: {  	s7 =	simm.s32 $0x0;
	s20 =	sshll.u32 s5, $0x1;
	s5 =	sadd.s32 s21, s3  }
0x9d: {  	[timem:s7], [sflag:s22] =	dma.local [hbm:s5], s20  }
0x9e: {  	_ =	swait.ge [sflag:s22], s20  }
0x9f: {  	s4 =	ssub.s32 $0x0, s20;
	[sflag:s22] =	ssyncset.done $0x0  }
0xa0: {  	[sflag:s22] =	ssyncadd.s32 s4;
	_ =	sdelay $0x1  }
0xa1: {  	s23 =	simm.s32 $0x1B8B  }
0xa2: {  	_ =	swait.ge [sflag:s23], $0x1  }
0xa3: {  	[sflag:s23] =	ssyncset.done $0x0  }
0xa4: {  	s25 =	simm.s32 $0x1B8E;
	s24 =	sld [smem:$0x3FFE];
	[sflag:s23] =	ssyncadd.s32 $0xFFFFFFFF  }
0xa5: {  	s26 =	simm.s32 $execute0_lowered;
	[smem:$0x3FD2] =	sst s25  }
0xa6: {  	s5 =	sshll.u32 s26, $0x1;
	_ =	strace $0x8000004F;
	[dreg:$0x1] =	wrdreg $0xFFFFFFFF  }
0xa7: {  	s28 =	simm.s32 $_size_execute0_lowered;
	s3 =	sadd.s32 s3, s5;
	[dreg:$0x0] =	wrdreg $0x0  }
0xa8: {  	s5 =	sshll.u32 s28, $0x1;
	[dreg:$0x2] =	wrdreg s3  }
0xa9: {  	[dreg:$0x3] =	wrdreg s5  }
0xaa: {  	[dreg:$0x4] =	wrdreg $0xC0  }
0xab: {  	_ =	task [dreg:s7], $0x5FFFF  }
0xac: {  	[dreg:$0x1] =	wrdreg $0xFFFFFFFF  }
0xad: {  	[dreg:$0x0] =	wrdreg $0x60  }
0xae: {  	[dreg:$0x2] =	wrdreg s24  }
0xaf: {  	[dreg:$0x3] =	wrdreg s2  }
0xb0: {  	[dreg:$0x4] =	wrdreg $0x9  }
0xb1: {  	_ =	task.clear_ibuf [dreg:s7], $0x5FFFF;
	_ =	strace $0x9000004F  }
0xb2: {  	s29 =	simm.s32 $0x9;
	_ =	strace $0x80000051  }
0xb3: {  	_ =	swait.ge [sflag:s29], $0x1  }
0xb4: {  	[sflag:s29] =	ssyncadd.s32 $0xFFFFFFFF  }
0xb5: {  	_ =	strace $0x90000051  }
0xb6: {  	_ =	sfence  }
0xb7: {  	s30 =	sld [smem:$0x0];
	_ =	sdelay $0x2  }
0xb8: {  	s31 =	sshll.u32 s1, $0xD;
	s1 =	sshrl.u32 s1, $0x2  }
0xb9: {  	s3 =	sand.u32 $0x4000, s31;
	s1 =	sadd.s32 s1, s30  }
0xba: {  	s0 =	sor.u32 s3, s0;
	s1 =	sshll.u32 s1, $0x11  }
0xbb: {  	s0 =	sor.u32 s1, s0  }
0xbc: {  	s0 =	sadd.s32 $0x8F2B, s0  }
0xbd: {  	[sflag:s0] =	ssyncadd.remote.s32 $0x1  }
0xbe: {  	_ =	sfence.sel $0xFFFF  }
0xbf: {  	[dreg:$0x0] =	wrdreg $0xFFFFFFFF;
	(pc) =	sbr.abs _section_cstart, $3  }
0xc0: {  	[dreg:$0x1] =	wrdreg $0xFFFFFFFF  }
0xc1: {  	_ =	task.clear_ibuf [dreg:s7], $0x2FFFF;
	_ =	strace $0x9FFFFFFF  }
0xc2: {  	(tm) =	ssettm $0x7FFFFFFF  }
0xc3: {  	_ =	shalt  }
tec
execute0_lowered:
.L_overlay_start_1:
0x0: {  	(tag) =	ssettag $0x1  }
0x1: {  	s0 =	rddreg [dreg:$0x0]  }
0x2: {  	s1 =	rddreg [dreg:$0x1];
	s2 =	simm.s32 $0x0;
	s3 =	srdreg.scid  }
0x3: {  	s5 =	stileid.u32;
	s29 =	simm.s32 $0x880;
	s30 =	simm.s32 $0x1080  }
0x4: {  	s31 =	simm.s32 $0x1880;
	s15 =	simm.s32 $0x3880;
	s16 =	simm.s32 $0x4080  }
0x5: {  	s17 =	simm.s32 $0x4880;
	s18 =	simm.s32 $0x5080;
	[smem:$0x7FF] =	sst s2  }
0x6: {  	s4 =	sand.u32 $0x1, s3;
	s3 =	sadd.s32 $0x100600, s0;
	s11 =	sadd.s32 $0x100400, s0  }
0x7: {  	s5 =	sshll.u32 s5, $0x8;
	s7 =	sadd.s32 $0x100A00, s0;
	s8 =	sadd.s32 $0x100B00, s0  }
0x8: {  	_ =	strace $0x80000050;
	s6 =	sshll.u32 s4, $0x7;
	s4 =	ssub.s32 $0x2, s4  }
0x9: {  	s10 =	sor.u32 s6, s5;
	s19 =	sshrl.u32 s4, $0x1;
	s5 =	sadd.s32 $0x100800, s0  }
0xa: {  	s6 =	sshrl.u32 s10, $0x3;
	s12 =	ssub.s32 s4, s19;
	s4 =	sadd.s32 $0x100700, s0  }
0xb: {  	s9 =	sshll.u32 s10, $0x8;
	s13 =	sor.u32 $0x20, s10;
	s22 =	sor.u32 $0x40, s10  }
0xc: {  	s10 =	sor.u32 $0x60, s10;
	s19 =	simm.s32 $0x5880;
	s20 =	sadd.s32 s11, s6  }
0xd: {  	s6 =	sadd.s32 $0x100900, s0;
	s9 =	sadd.s32 s1, s9;
	s14 =	sshrl.u32 s13, $0x3  }
0xe: {  	s13 =	sshll.u32 s13, $0x8;
	s23 =	sshrl.u32 s22, $0x3;
	s25 =	sshrl.u32 s10, $0x3  }
0xf: {  	s26 =	sshll.u32 s10, $0x8;
	s10 =	sadd.s32 $0x100D00, s0;
	[dreg:$0x3] =	wrdreg s20  }
0x10: {  	[dreg:$0x4] =	wrdreg s9;
	s21 =	sadd.s32 s11, s14;
	s13 =	sadd.s32 s1, s13  }
0x11: {  	s9 =	sadd.s32 $0x100C00, s0;
	s14 =	sshll.u32 s22, $0x8;
	s28 =	sadd.s32 s1, s26  }
0x12: {  	s26 =	simm.s32 $0x1;
	s20 =	simm.s32 $0x6080;
	[dreg:$0x5] =	wrdreg s21  }
0x13: {  	s22 =	simm.s32 $0x7080;
	[dreg:$0x6] =	wrdreg s13;
	s13 =	sadd.s32 s11, s23  }
0x14: {  	s24 =	sadd.s32 s1, s14;
	s11 =	sadd.s32 s11, s25;
	[dreg:$0xa] =	wrdreg s28  }
0x15: {  	s1 =	simm.s32 $0x2880;
	s14 =	simm.s32 $0x3080;
	[dreg:$0x7] =	wrdreg s13  }
0x16: {  	v2 =	vlaneseq.u32;
	s21 =	simm.s32 $0x6880;
	s23 =	simm.s32 $0x7880;
	[dreg:$0x8] =	wrdreg s24  }
0x17: {  	vm0 =	vmmov $0xffff;
	v1 =	vshrl.u32 v2, $0x3;
	s25 =	simm.s32 $0x8880;
	[dreg:$0x9] =	wrdreg s11;
	s11 =	smax.u32 s12, $0x1  }
0x18: {  	v0 =	vand.u32 $0x7, v2;
	v2 =	vor.u32 $0x8, v2;
	v1 =	vmul.u32 $0x8, v1;
	s12 =	simm.s32 $0x2;
	s13 =	simm.s32 $0x80;
	s24 =	simm.s32 $0x8080  }
.LBB2_1:
0x19: {  	s28 =	rddreg [dreg:$0x3]  }
0x1a: {  	[tilespmem:s2], [sflag:$0x2] =	stream.linear.gather [hbm4b:s28+s2], $0x20, $0x38;
	[tilespmem:$0x10080] =	vst v63  }
0x1b: {  	_ =	swait.ge [sflag:s12], $0x20  }
0x1c: {  	[sflag:s12] =	ssyncset.done $0x0  }
0x1d: {  	[sflag:s12] =	ssyncadd.s32 $0xFFFFFFE0  }
0x1e: {  	v3 =	vld [tilespmem:$0x0];
	_ =	sdelay $0x4  }
0x1f: {  	v4 =	vshll.u32 v3, $0x4  }
0x20: {  	v3 =	vand.u32 $0x7, v3;
	v4 =	vand.u32 $0xFFFFFF80, v4  }
0x21: {  	v3 =	vor.u32 v3, v4  }
0x22: {  	v4 =	vperm.xlane v3, v0;
	_ =	sdelay $0x1  }
0x23: {  	v4 =	vadd.s32 v1, v4;
	_ =	sdelay $0x4  }
0x24: {  	[tilespmem:s13], [sflag:$0x1] =	stream.indirect_vreg.gather [hbm4b:s3+s2], $0x80, v4, vm0, $0xb8;
	[tilespmem:$0x10080] =	vst v63  }
0x25: {  	_ = 	snop  }
0x26: {  	[tilespmem:s29], [sflag:$0x1] =	stream.indirect_vreg.gather [hbm4b:s4+s2], $0x80, v4, vm0, $0xb8;
	[tilespmem:$0x10080] =	vst v63  }
0x27: {  	_ = 	snop  }
0x28: {  	[tilespmem:s30], [sflag:$0x1] =	stream.indirect_vreg.gather [hbm4b:s5+s2], $0x80, v4, vm0, $0xb8;
	[tilespmem:$0x10080] =	vst v63  }
0x29: {  	_ = 	snop  }
0x2a: {  	[tilespmem:s31], [sflag:$0x1] =	stream.indirect_vreg.gather [hbm4b:s6+s2], $0x80, v4, vm0, $0xb8;
	[tilespmem:$0x10080] =	vst v63  }
0x2b: {  	s0 =	simm.s32 $0x2080  }
0x2c: {  	[tilespmem:s0], [sflag:$0x1] =	stream.indirect_vreg.gather [hbm4b:s7+s2], $0x80, v4, vm0, $0xb8;
	[tilespmem:$0x10080] =	vst v63  }
0x2d: {  	v3 =	vperm.xlane v3, v2  }
0x2e: {  	[tilespmem:s1], [sflag:$0x1] =	stream.indirect_vreg.gather [hbm4b:s8+s2], $0x80, v4, vm0, $0xb8;
	[tilespmem:$0x10080] =	vst v63  }
0x2f: {  	v3 =	vadd.s32 v1, v3  }
0x30: {  	[tilespmem:s14], [sflag:$0x1] =	stream.indirect_vreg.gather [hbm4b:s9+s2], $0x80, v4, vm0, $0xb8;
	[tilespmem:$0x10080] =	vst v63  }
0x31: {  	_ = 	snop  }
0x32: {  	[tilespmem:s15], [sflag:$0x1] =	stream.indirect_vreg.gather [hbm4b:s10+s2], $0x80, v4, vm0, $0xb8;
	[tilespmem:$0x10080] =	vst v63  }
0x33: {  	_ = 	snop  }
0x34: {  	[tilespmem:s16], [sflag:$0x1] =	stream.indirect_vreg.gather [hbm4b:s3+s2], $0x80, v3, vm0, $0xb8;
	[tilespmem:$0x10080] =	vst v63  }
0x35: {  	_ = 	snop  }
0x36: {  	[tilespmem:s17], [sflag:$0x1] =	stream.indirect_vreg.gather [hbm4b:s4+s2], $0x80, v3, vm0, $0xb8;
	[tilespmem:$0x10080] =	vst v63  }
0x37: {  	_ = 	snop  }
0x38: {  	[tilespmem:s18], [sflag:$0x1] =	stream.indirect_vreg.gather [hbm4b:s5+s2], $0x80, v3, vm0, $0xb8;
	[tilespmem:$0x10080] =	vst v63  }
0x39: {  	_ = 	snop  }
0x3a: {  	[tilespmem:s19], [sflag:$0x1] =	stream.indirect_vreg.gather [hbm4b:s6+s2], $0x80, v3, vm0, $0xb8;
	[tilespmem:$0x10080] =	vst v63  }
0x3b: {  	_ = 	snop  }
0x3c: {  	[tilespmem:s20], [sflag:$0x1] =	stream.indirect_vreg.gather [hbm4b:s7+s2], $0x80, v3, vm0, $0xb8;
	[tilespmem:$0x10080] =	vst v63  }
0x3d: {  	_ = 	snop  }
0x3e: {  	[tilespmem:s21], [sflag:$0x1] =	stream.indirect_vreg.gather [hbm4b:s8+s2], $0x80, v3, vm0, $0xb8;
	[tilespmem:$0x10080] =	vst v63  }
0x3f: {  	_ = 	snop  }
0x40: {  	[tilespmem:s22], [sflag:$0x1] =	stream.indirect_vreg.gather [hbm4b:s9+s2], $0x80, v3, vm0, $0xb8;
	[tilespmem:$0x10080] =	vst v63  }
0x41: {  	_ = 	snop  }
0x42: {  	[tilespmem:s23], [sflag:$0x1] =	stream.indirect_vreg.gather [hbm4b:s10+s2], $0x80, v3, vm0, $0xb8;
	[tilespmem:$0x10080] =	vst v63  }
0x43: {  	v3 =	vld [tilespmem:$0x10];
	_ =	sdelay $0x4  }
0x44: {  	v57 =	vshll.u32 v3, $0x4  }
0x45: {  	v3 =	vand.u32 $0x7, v3;
	v4 =	vand.u32 $0xFFFFFF80, v57  }
0x46: {  	v3 =	vor.u32 v3, v4  }
0x47: {  	v4 =	vperm.xlane v3, v0;
	_ =	sdelay $0x1  }
0x48: {  	v4 =	vadd.s32 v1, v4;
	_ =	sdelay $0x4  }
0x49: {  	[tilespmem:s24], [sflag:$0x1] =	stream.indirect_vreg.gather [hbm4b:s3+s2], $0x80, v4, vm0, $0xb8;
	[tilespmem:$0x10080] =	vst v63  }
0x4a: {  	_ = 	snop  }
0x4b: {  	[tilespmem:s25], [sflag:$0x1] =	stream.indirect_vreg.gather [hbm4b:s4+s2], $0x80, v4, vm0, $0xb8;
	[tilespmem:$0x10080] =	vst v63  }
0x4c: {  	s28 =	simm.s32 $0x9080  }
0x4d: {  	[tilespmem:s28], [sflag:$0x1] =	stream.indirect_vreg.gather [hbm4b:s5+s2], $0x80, v4, vm0, $0xb8;
	[tilespmem:$0x10080] =	vst v63  }
0x4e: {  	s28 =	simm.s32 $0x9880  }
0x4f: {  	[tilespmem:s28], [sflag:$0x1] =	stream.indirect_vreg.gather [hbm4b:s6+s2], $0x80, v4, vm0, $0xb8;
	[tilespmem:$0x10080] =	vst v63  }
0x50: {  	s28 =	simm.s32 $0xA080  }
0x51: {  	[tilespmem:s28], [sflag:$0x1] =	stream.indirect_vreg.gather [hbm4b:s7+s2], $0x80, v4, vm0, $0xb8;
	[tilespmem:$0x10080] =	vst v63  }
0x52: {  	v3 =	vperm.xlane v3, v2;
	s28 =	simm.s32 $0xA880  }
0x53: {  	[tilespmem:s28], [sflag:$0x1] =	stream.indirect_vreg.gather [hbm4b:s8+s2], $0x80, v4, vm0, $0xb8;
	[tilespmem:$0x10080] =	vst v63  }
0x54: {  	v3 =	vadd.s32 v1, v3;
	s28 =	simm.s32 $0xB080  }
0x55: {  	[tilespmem:s28], [sflag:$0x1] =	stream.indirect_vreg.gather [hbm4b:s9+s2], $0x80, v4, vm0, $0xb8;
	[tilespmem:$0x10080] =	vst v63  }
0x56: {  	s28 =	simm.s32 $0xB880  }
0x57: {  	[tilespmem:s28], [sflag:$0x1] =	stream.indirect_vreg.gather [hbm4b:s10+s2], $0x80, v4, vm0, $0xb8;
	[tilespmem:$0x10080] =	vst v63  }
0x58: {  	s28 =	simm.s32 $0xC080  }
0x59: {  	[tilespmem:s28], [sflag:$0x1] =	stream.indirect_vreg.gather [hbm4b:s3+s2], $0x80, v3, vm0, $0xb8;
	[tilespmem:$0x10080] =	vst v63  }
0x5a: {  	s28 =	simm.s32 $0xC880  }
0x5b: {  	[tilespmem:s28], [sflag:$0x1] =	stream.indirect_vreg.gather [hbm4b:s4+s2], $0x80, v3, vm0, $0xb8;
	[tilespmem:$0x10080] =	vst v63  }
0x5c: {  	s28 =	simm.s32 $0xD080  }
0x5d: {  	[tilespmem:s28], [sflag:$0x1] =	stream.indirect_vreg.gather [hbm4b:s5+s2], $0x80, v3, vm0, $0xb8;
	[tilespmem:$0x10080] =	vst v63  }
0x5e: {  	s28 =	simm.s32 $0xD880  }
0x5f: {  	[tilespmem:s28], [sflag:$0x1] =	stream.indirect_vreg.gather [hbm4b:s6+s2], $0x80, v3, vm0, $0xb8;
	[tilespmem:$0x10080] =	vst v63  }
0x60: {  	s28 =	simm.s32 $0xE080  }
0x61: {  	[tilespmem:s28], [sflag:$0x1] =	stream.indirect_vreg.gather [hbm4b:s7+s2], $0x80, v3, vm0, $0xb8;
	[tilespmem:$0x10080] =	vst v63  }
0x62: {  	s28 =	simm.s32 $0xE880  }
0x63: {  	[tilespmem:s28], [sflag:$0x1] =	stream.indirect_vreg.gather [hbm4b:s8+s2], $0x80, v3, vm0, $0xb8;
	[tilespmem:$0x10080] =	vst v63  }
0x64: {  	s28 =	simm.s32 $0xF080  }
0x65: {  	[tilespmem:s28], [sflag:$0x1] =	stream.indirect_vreg.gather [hbm4b:s9+s2], $0x80, v3, vm0, $0xb8;
	[tilespmem:$0x10080] =	vst v63  }
0x66: {  	s28 =	simm.s32 $0xF880  }
0x67: {  	[tilespmem:s28], [sflag:$0x1] =	stream.indirect_vreg.gather [hbm4b:s10+s2], $0x80, v3, vm0, $0xb8;
	[tilespmem:$0x10080] =	vst v63  }
0x68: {  	_ =	swait.ge [sflag:s26], $0x10000  }
0x69: {  	[sflag:s26] =	ssyncset.done $0x0  }
0x6a: {  	s28 =	rddreg [dreg:$0x4];
	[sflag:s26] =	ssyncadd.s32 $0xFFFF0000  }
0x6b: {  	[hbm4b:s28+s2] =	stream.linear.scatter [tilespmem:s13], [sflag:$0x2], $0x10000, $0x38;
	[tilespmem:$0x10080] =	vst v63  }
0x6c: {  	_ =	swait.ge [sflag:s12], $0x10000  }
0x6d: {  	[sflag:s12] =	ssyncset.done $0x0  }
0x6e: {  	s28 =	rddreg [dreg:$0x5];
	[sflag:s12] =	ssyncadd.s32 $0xFFFF0000  }
0x6f: {  	[tilespmem:s2], [sflag:$0x2] =	stream.linear.gather [hbm4b:s28+s2], $0x20, $0x38;
	[tilespmem:$0x10080] =	vst v63  }
0x70: {  	_ =	swait.ge [sflag:s12], $0x20  }
0x71: {  	[sflag:s12] =	ssyncset.done $0x0  }
0x72: {  	[sflag:s12] =	ssyncadd.s32 $0xFFFFFFE0  }
0x73: {  	v3 =	vld [tilespmem:$0x0];
	_ =	sdelay $0x4  }
0x74: {  	v58 =	vshll.u32 v3, $0x4  }
0x75: {  	v3 =	vand.u32 $0x7, v3;
	v4 =	vand.u32 $0xFFFFFF80, v58  }
0x76: {  	v3 =	vor.u32 v3, v4  }
0x77: {  	v4 =	vperm.xlane v3, v0;
	_ =	sdelay $0x1  }
0x78: {  	v4 =	vadd.s32 v1, v4;
	_ =	sdelay $0x4  }
0x79: {  	[tilespmem:s13], [sflag:$0x1] =	stream.indirect_vreg.gather [hbm4b:s3+s2], $0x80, v4, vm0, $0xb8;
	[tilespmem:$0x10080] =	vst v63  }
0x7a: {  	_ = 	snop  }
0x7b: {  	[tilespmem:s29], [sflag:$0x1] =	stream.indirect_vreg.gather [hbm4b:s4+s2], $0x80, v4, vm0, $0xb8;
	[tilespmem:$0x10080] =	vst v63  }
0x7c: {  	_ = 	snop  }
0x7d: {  	[tilespmem:s30], [sflag:$0x1] =	stream.indirect_vreg.gather [hbm4b:s5+s2], $0x80, v4, vm0, $0xb8;
	[tilespmem:$0x10080] =	vst v63  }
0x7e: {  	_ = 	snop  }
0x7f: {  	[tilespmem:s31], [sflag:$0x1] =	stream.indirect_vreg.gather [hbm4b:s6+s2], $0x80, v4, vm0, $0xb8;
	[tilespmem:$0x10080] =	vst v63  }
0x80: {  	_ = 	snop  }
0x81: {  	[tilespmem:s0], [sflag:$0x1] =	stream.indirect_vreg.gather [hbm4b:s7+s2], $0x80, v4, vm0, $0xb8;
	[tilespmem:$0x10080] =	vst v63  }
0x82: {  	v3 =	vperm.xlane v3, v2  }
0x83: {  	[tilespmem:s1], [sflag:$0x1] =	stream.indirect_vreg.gather [hbm4b:s8+s2], $0x80, v4, vm0, $0xb8;
	[tilespmem:$0x10080] =	vst v63  }
0x84: {  	v3 =	vadd.s32 v1, v3  }
0x85: {  	[tilespmem:s14], [sflag:$0x1] =	stream.indirect_vreg.gather [hbm4b:s9+s2], $0x80, v4, vm0, $0xb8;
	[tilespmem:$0x10080] =	vst v63  }
0x86: {  	_ = 	snop  }
0x87: {  	[tilespmem:s15], [sflag:$0x1] =	stream.indirect_vreg.gather [hbm4b:s10+s2], $0x80, v4, vm0, $0xb8;
	[tilespmem:$0x10080] =	vst v63  }
0x88: {  	_ = 	snop  }
0x89: {  	[tilespmem:s16], [sflag:$0x1] =	stream.indirect_vreg.gather [hbm4b:s3+s2], $0x80, v3, vm0, $0xb8;
	[tilespmem:$0x10080] =	vst v63  }
0x8a: {  	_ = 	snop  }
0x8b: {  	[tilespmem:s17], [sflag:$0x1] =	stream.indirect_vreg.gather [hbm4b:s4+s2], $0x80, v3, vm0, $0xb8;
	[tilespmem:$0x10080] =	vst v63  }
0x8c: {  	_ = 	snop  }
0x8d: {  	[tilespmem:s18], [sflag:$0x1] =	stream.indirect_vreg.gather [hbm4b:s5+s2], $0x80, v3, vm0, $0xb8;
	[tilespmem:$0x10080] =	vst v63  }
0x8e: {  	_ = 	snop  }
0x8f: {  	[tilespmem:s19], [sflag:$0x1] =	stream.indirect_vreg.gather [hbm4b:s6+s2], $0x80, v3, vm0, $0xb8;
	[tilespmem:$0x10080] =	vst v63  }
0x90: {  	_ = 	snop  }
0x91: {  	[tilespmem:s20], [sflag:$0x1] =	stream.indirect_vreg.gather [hbm4b:s7+s2], $0x80, v3, vm0, $0xb8;
	[tilespmem:$0x10080] =	vst v63  }
0x92: {  	_ = 	snop  }
0x93: {  	[tilespmem:s21], [sflag:$0x1] =	stream.indirect_vreg.gather [hbm4b:s8+s2], $0x80, v3, vm0, $0xb8;
	[tilespmem:$0x10080] =	vst v63  }
0x94: {  	_ = 	snop  }
0x95: {  	[tilespmem:s22], [sflag:$0x1] =	stream.indirect_vreg.gather [hbm4b:s9+s2], $0x80, v3, vm0, $0xb8;
	[tilespmem:$0x10080] =	vst v63  }
0x96: {  	_ = 	snop  }
0x97: {  	[tilespmem:s23], [sflag:$0x1] =	stream.indirect_vreg.gather [hbm4b:s10+s2], $0x80, v3, vm0, $0xb8;
	[tilespmem:$0x10080] =	vst v63  }
0x98: {  	v3 =	vld [tilespmem:$0x10];
	_ =	sdelay $0x4  }
0x99: {  	v59 =	vshll.u32 v3, $0x4  }
0x9a: {  	v3 =	vand.u32 $0x7, v3;
	v4 =	vand.u32 $0xFFFFFF80, v59  }
0x9b: {  	v3 =	vor.u32 v3, v4  }
0x9c: {  	v4 =	vperm.xlane v3, v0;
	_ =	sdelay $0x1  }
0x9d: {  	v4 =	vadd.s32 v1, v4;
	_ =	sdelay $0x4  }
0x9e: {  	[tilespmem:s24], [sflag:$0x1] =	stream.indirect_vreg.gather [hbm4b:s3+s2], $0x80, v4, vm0, $0xb8;
	[tilespmem:$0x10080] =	vst v63  }
0x9f: {  	_ = 	snop  }
0xa0: {  	[tilespmem:s25], [sflag:$0x1] =	stream.indirect_vreg.gather [hbm4b:s4+s2], $0x80, v4, vm0, $0xb8;
	[tilespmem:$0x10080] =	vst v63  }
0xa1: {  	s28 =	simm.s32 $0x9080  }
0xa2: {  	[tilespmem:s28], [sflag:$0x1] =	stream.indirect_vreg.gather [hbm4b:s5+s2], $0x80, v4, vm0, $0xb8;
	[tilespmem:$0x10080] =	vst v63  }
0xa3: {  	s28 =	simm.s32 $0x9880  }
0xa4: {  	[tilespmem:s28], [sflag:$0x1] =	stream.indirect_vreg.gather [hbm4b:s6+s2], $0x80, v4, vm0, $0xb8;
	[tilespmem:$0x10080] =	vst v63  }
0xa5: {  	s28 =	simm.s32 $0xA080  }
0xa6: {  	[tilespmem:s28], [sflag:$0x1] =	stream.indirect_vreg.gather [hbm4b:s7+s2], $0x80, v4, vm0, $0xb8;
	[tilespmem:$0x10080] =	vst v63  }
0xa7: {  	v3 =	vperm.xlane v3, v2;
	s28 =	simm.s32 $0xA880  }
0xa8: {  	[tilespmem:s28], [sflag:$0x1] =	stream.indirect_vreg.gather [hbm4b:s8+s2], $0x80, v4, vm0, $0xb8;
	[tilespmem:$0x10080] =	vst v63  }
0xa9: {  	v3 =	vadd.s32 v1, v3;
	s28 =	simm.s32 $0xB080  }
0xaa: {  	[tilespmem:s28], [sflag:$0x1] =	stream.indirect_vreg.gather [hbm4b:s9+s2], $0x80, v4, vm0, $0xb8;
	[tilespmem:$0x10080] =	vst v63  }
0xab: {  	s28 =	simm.s32 $0xB880  }
0xac: {  	[tilespmem:s28], [sflag:$0x1] =	stream.indirect_vreg.gather [hbm4b:s10+s2], $0x80, v4, vm0, $0xb8;
	[tilespmem:$0x10080] =	vst v63  }
0xad: {  	s28 =	simm.s32 $0xC080  }
0xae: {  	[tilespmem:s28], [sflag:$0x1] =	stream.indirect_vreg.gather [hbm4b:s3+s2], $0x80, v3, vm0, $0xb8;
	[tilespmem:$0x10080] =	vst v63  }
0xaf: {  	s28 =	simm.s32 $0xC880  }
0xb0: {  	[tilespmem:s28], [sflag:$0x1] =	stream.indirect_vreg.gather [hbm4b:s4+s2], $0x80, v3, vm0, $0xb8;
	[tilespmem:$0x10080] =	vst v63  }
0xb1: {  	s28 =	simm.s32 $0xD080  }
0xb2: {  	[tilespmem:s28], [sflag:$0x1] =	stream.indirect_vreg.gather [hbm4b:s5+s2], $0x80, v3, vm0, $0xb8;
	[tilespmem:$0x10080] =	vst v63  }
0xb3: {  	s28 =	simm.s32 $0xD880  }
0xb4: {  	[tilespmem:s28], [sflag:$0x1] =	stream.indirect_vreg.gather [hbm4b:s6+s2], $0x80, v3, vm0, $0xb8;
	[tilespmem:$0x10080] =	vst v63  }
0xb5: {  	s28 =	simm.s32 $0xE080  }
0xb6: {  	[tilespmem:s28], [sflag:$0x1] =	stream.indirect_vreg.gather [hbm4b:s7+s2], $0x80, v3, vm0, $0xb8;
	[tilespmem:$0x10080] =	vst v63  }
0xb7: {  	s28 =	simm.s32 $0xE880  }
0xb8: {  	[tilespmem:s28], [sflag:$0x1] =	stream.indirect_vreg.gather [hbm4b:s8+s2], $0x80, v3, vm0, $0xb8;
	[tilespmem:$0x10080] =	vst v63  }
0xb9: {  	s28 =	simm.s32 $0xF080  }
0xba: {  	[tilespmem:s28], [sflag:$0x1] =	stream.indirect_vreg.gather [hbm4b:s9+s2], $0x80, v3, vm0, $0xb8;
	[tilespmem:$0x10080] =	vst v63  }
0xbb: {  	s28 =	simm.s32 $0xF880  }
0xbc: {  	[tilespmem:s28], [sflag:$0x1] =	stream.indirect_vreg.gather [hbm4b:s10+s2], $0x80, v3, vm0, $0xb8;
	[tilespmem:$0x10080] =	vst v63  }
0xbd: {  	_ =	swait.ge [sflag:s26], $0x10000  }
0xbe: {  	[sflag:s26] =	ssyncset.done $0x0  }
0xbf: {  	s28 =	rddreg [dreg:$0x6];
	[sflag:s26] =	ssyncadd.s32 $0xFFFF0000  }
0xc0: {  	[hbm4b:s28+s2] =	stream.linear.scatter [tilespmem:s13], [sflag:$0x2], $0x10000, $0x38;
	[tilespmem:$0x10080] =	vst v63  }
0xc1: {  	_ =	swait.ge [sflag:s12], $0x10000  }
0xc2: {  	[sflag:s12] =	ssyncset.done $0x0  }
0xc3: {  	s28 =	rddreg [dreg:$0x7];
	[sflag:s12] =	ssyncadd.s32 $0xFFFF0000  }
0xc4: {  	[tilespmem:s2], [sflag:$0x2] =	stream.linear.gather [hbm4b:s28+s2], $0x20, $0x38;
	[tilespmem:$0x10080] =	vst v63  }
0xc5: {  	_ =	swait.ge [sflag:s12], $0x20  }
0xc6: {  	[sflag:s12] =	ssyncset.done $0x0  }
0xc7: {  	[sflag:s12] =	ssyncadd.s32 $0xFFFFFFE0  }
0xc8: {  	v3 =	vld [tilespmem:$0x0];
	_ =	sdelay $0x4  }
0xc9: {  	v60 =	vshll.u32 v3, $0x4  }
0xca: {  	v3 =	vand.u32 $0x7, v3;
	v4 =	vand.u32 $0xFFFFFF80, v60  }
0xcb: {  	v3 =	vor.u32 v3, v4  }
0xcc: {  	v4 =	vperm.xlane v3, v0;
	_ =	sdelay $0x1  }
0xcd: {  	v4 =	vadd.s32 v1, v4;
	_ =	sdelay $0x4  }
0xce: {  	[tilespmem:s13], [sflag:$0x1] =	stream.indirect_vreg.gather [hbm4b:s3+s2], $0x80, v4, vm0, $0xb8;
	[tilespmem:$0x10080] =	vst v63  }
0xcf: {  	_ = 	snop  }
0xd0: {  	[tilespmem:s29], [sflag:$0x1] =	stream.indirect_vreg.gather [hbm4b:s4+s2], $0x80, v4, vm0, $0xb8;
	[tilespmem:$0x10080] =	vst v63  }
0xd1: {  	_ = 	snop  }
0xd2: {  	[tilespmem:s30], [sflag:$0x1] =	stream.indirect_vreg.gather [hbm4b:s5+s2], $0x80, v4, vm0, $0xb8;
	[tilespmem:$0x10080] =	vst v63  }
0xd3: {  	_ = 	snop  }
0xd4: {  	[tilespmem:s31], [sflag:$0x1] =	stream.indirect_vreg.gather [hbm4b:s6+s2], $0x80, v4, vm0, $0xb8;
	[tilespmem:$0x10080] =	vst v63  }
0xd5: {  	_ = 	snop  }
0xd6: {  	[tilespmem:s0], [sflag:$0x1] =	stream.indirect_vreg.gather [hbm4b:s7+s2], $0x80, v4, vm0, $0xb8;
	[tilespmem:$0x10080] =	vst v63  }
0xd7: {  	v3 =	vperm.xlane v3, v2  }
0xd8: {  	[tilespmem:s1], [sflag:$0x1] =	stream.indirect_vreg.gather [hbm4b:s8+s2], $0x80, v4, vm0, $0xb8;
	[tilespmem:$0x10080] =	vst v63  }
0xd9: {  	v3 =	vadd.s32 v1, v3  }
0xda: {  	[tilespmem:s14], [sflag:$0x1] =	stream.indirect_vreg.gather [hbm4b:s9+s2], $0x80, v4, vm0, $0xb8;
	[tilespmem:$0x10080] =	vst v63  }
0xdb: {  	_ = 	snop  }
0xdc: {  	[tilespmem:s15], [sflag:$0x1] =	stream.indirect_vreg.gather [hbm4b:s10+s2], $0x80, v4, vm0, $0xb8;
	[tilespmem:$0x10080] =	vst v63  }
0xdd: {  	_ = 	snop  }
0xde: {  	[tilespmem:s16], [sflag:$0x1] =	stream.indirect_vreg.gather [hbm4b:s3+s2], $0x80, v3, vm0, $0xb8;
	[tilespmem:$0x10080] =	vst v63  }
0xdf: {  	_ = 	snop  }
0xe0: {  	[tilespmem:s17], [sflag:$0x1] =	stream.indirect_vreg.gather [hbm4b:s4+s2], $0x80, v3, vm0, $0xb8;
	[tilespmem:$0x10080] =	vst v63  }
0xe1: {  	_ = 	snop  }
0xe2: {  	[tilespmem:s18], [sflag:$0x1] =	stream.indirect_vreg.gather [hbm4b:s5+s2], $0x80, v3, vm0, $0xb8;
	[tilespmem:$0x10080] =	vst v63  }
0xe3: {  	_ = 	snop  }
0xe4: {  	[tilespmem:s19], [sflag:$0x1] =	stream.indirect_vreg.gather [hbm4b:s6+s2], $0x80, v3, vm0, $0xb8;
	[tilespmem:$0x10080] =	vst v63  }
0xe5: {  	_ = 	snop  }
0xe6: {  	[tilespmem:s20], [sflag:$0x1] =	stream.indirect_vreg.gather [hbm4b:s7+s2], $0x80, v3, vm0, $0xb8;
	[tilespmem:$0x10080] =	vst v63  }
0xe7: {  	_ = 	snop  }
0xe8: {  	[tilespmem:s21], [sflag:$0x1] =	stream.indirect_vreg.gather [hbm4b:s8+s2], $0x80, v3, vm0, $0xb8;
	[tilespmem:$0x10080] =	vst v63  }
0xe9: {  	_ = 	snop  }
0xea: {  	[tilespmem:s22], [sflag:$0x1] =	stream.indirect_vreg.gather [hbm4b:s9+s2], $0x80, v3, vm0, $0xb8;
	[tilespmem:$0x10080] =	vst v63  }
0xeb: {  	_ = 	snop  }
0xec: {  	[tilespmem:s23], [sflag:$0x1] =	stream.indirect_vreg.gather [hbm4b:s10+s2], $0x80, v3, vm0, $0xb8;
	[tilespmem:$0x10080] =	vst v63  }
0xed: {  	v3 =	vld [tilespmem:$0x10];
	_ =	sdelay $0x4  }
0xee: {  	v61 =	vshll.u32 v3, $0x4  }
0xef: {  	v3 =	vand.u32 $0x7, v3;
	v4 =	vand.u32 $0xFFFFFF80, v61  }
0xf0: {  	v3 =	vor.u32 v3, v4  }
0xf1: {  	v4 =	vperm.xlane v3, v0;
	_ =	sdelay $0x1  }
0xf2: {  	v4 =	vadd.s32 v1, v4;
	_ =	sdelay $0x4  }
0xf3: {  	[tilespmem:s24], [sflag:$0x1] =	stream.indirect_vreg.gather [hbm4b:s3+s2], $0x80, v4, vm0, $0xb8;
	[tilespmem:$0x10080] =	vst v63  }
0xf4: {  	_ = 	snop  }
0xf5: {  	[tilespmem:s25], [sflag:$0x1] =	stream.indirect_vreg.gather [hbm4b:s4+s2], $0x80, v4, vm0, $0xb8;
	[tilespmem:$0x10080] =	vst v63  }
0xf6: {  	s28 =	simm.s32 $0x9080  }
0xf7: {  	[tilespmem:s28], [sflag:$0x1] =	stream.indirect_vreg.gather [hbm4b:s5+s2], $0x80, v4, vm0, $0xb8;
	[tilespmem:$0x10080] =	vst v63  }
0xf8: {  	s28 =	simm.s32 $0x9880  }
0xf9: {  	[tilespmem:s28], [sflag:$0x1] =	stream.indirect_vreg.gather [hbm4b:s6+s2], $0x80, v4, vm0, $0xb8;
	[tilespmem:$0x10080] =	vst v63  }
0xfa: {  	s28 =	simm.s32 $0xA080  }
0xfb: {  	[tilespmem:s28], [sflag:$0x1] =	stream.indirect_vreg.gather [hbm4b:s7+s2], $0x80, v4, vm0, $0xb8;
	[tilespmem:$0x10080] =	vst v63  }
0xfc: {  	v3 =	vperm.xlane v3, v2;
	s28 =	simm.s32 $0xA880  }
0xfd: {  	[tilespmem:s28], [sflag:$0x1] =	stream.indirect_vreg.gather [hbm4b:s8+s2], $0x80, v4, vm0, $0xb8;
	[tilespmem:$0x10080] =	vst v63  }
0xfe: {  	v3 =	vadd.s32 v1, v3;
	s28 =	simm.s32 $0xB080  }
0xff: {  	[tilespmem:s28], [sflag:$0x1] =	stream.indirect_vreg.gather [hbm4b:s9+s2], $0x80, v4, vm0, $0xb8;
	[tilespmem:$0x10080] =	vst v63  }
0x100: {  	s28 =	simm.s32 $0xB880  }
0x101: {  	[tilespmem:s28], [sflag:$0x1] =	stream.indirect_vreg.gather [hbm4b:s10+s2], $0x80, v4, vm0, $0xb8;
	[tilespmem:$0x10080] =	vst v63  }
0x102: {  	s28 =	simm.s32 $0xC080  }
0x103: {  	[tilespmem:s28], [sflag:$0x1] =	stream.indirect_vreg.gather [hbm4b:s3+s2], $0x80, v3, vm0, $0xb8;
	[tilespmem:$0x10080] =	vst v63  }
0x104: {  	s28 =	simm.s32 $0xC880  }
0x105: {  	[tilespmem:s28], [sflag:$0x1] =	stream.indirect_vreg.gather [hbm4b:s4+s2], $0x80, v3, vm0, $0xb8;
	[tilespmem:$0x10080] =	vst v63  }
0x106: {  	s28 =	simm.s32 $0xD080  }
0x107: {  	[tilespmem:s28], [sflag:$0x1] =	stream.indirect_vreg.gather [hbm4b:s5+s2], $0x80, v3, vm0, $0xb8;
	[tilespmem:$0x10080] =	vst v63  }
0x108: {  	s28 =	simm.s32 $0xD880  }
0x109: {  	[tilespmem:s28], [sflag:$0x1] =	stream.indirect_vreg.gather [hbm4b:s6+s2], $0x80, v3, vm0, $0xb8;
	[tilespmem:$0x10080] =	vst v63  }
0x10a: {  	s28 =	simm.s32 $0xE080  }
0x10b: {  	[tilespmem:s28], [sflag:$0x1] =	stream.indirect_vreg.gather [hbm4b:s7+s2], $0x80, v3, vm0, $0xb8;
	[tilespmem:$0x10080] =	vst v63  }
0x10c: {  	s28 =	simm.s32 $0xE880  }
0x10d: {  	[tilespmem:s28], [sflag:$0x1] =	stream.indirect_vreg.gather [hbm4b:s8+s2], $0x80, v3, vm0, $0xb8;
	[tilespmem:$0x10080] =	vst v63  }
0x10e: {  	s28 =	simm.s32 $0xF080  }
0x10f: {  	[tilespmem:s28], [sflag:$0x1] =	stream.indirect_vreg.gather [hbm4b:s9+s2], $0x80, v3, vm0, $0xb8;
	[tilespmem:$0x10080] =	vst v63  }
0x110: {  	s28 =	simm.s32 $0xF880  }
0x111: {  	[tilespmem:s28], [sflag:$0x1] =	stream.indirect_vreg.gather [hbm4b:s10+s2], $0x80, v3, vm0, $0xb8;
	[tilespmem:$0x10080] =	vst v63  }
0x112: {  	_ =	swait.ge [sflag:s26], $0x10000  }
0x113: {  	[sflag:s26] =	ssyncset.done $0x0  }
0x114: {  	s28 =	rddreg [dreg:$0x8];
	[sflag:s26] =	ssyncadd.s32 $0xFFFF0000  }
0x115: {  	[hbm4b:s28+s2] =	stream.linear.scatter [tilespmem:s13], [sflag:$0x2], $0x10000, $0x38;
	[tilespmem:$0x10080] =	vst v63  }
0x116: {  	_ =	swait.ge [sflag:s12], $0x10000  }
0x117: {  	[sflag:s12] =	ssyncset.done $0x0  }
0x118: {  	s28 =	rddreg [dreg:$0x9];
	[sflag:s12] =	ssyncadd.s32 $0xFFFF0000  }
0x119: {  	[tilespmem:s2], [sflag:$0x2] =	stream.linear.gather [hbm4b:s28+s2], $0x20, $0x38;
	[tilespmem:$0x10080] =	vst v63  }
0x11a: {  	_ =	swait.ge [sflag:s12], $0x20  }
0x11b: {  	[sflag:s12] =	ssyncset.done $0x0  }
0x11c: {  	[sflag:s12] =	ssyncadd.s32 $0xFFFFFFE0  }
0x11d: {  	v3 =	vld [tilespmem:$0x0];
	_ =	sdelay $0x4  }
0x11e: {  	v62 =	vshll.u32 v3, $0x4  }
0x11f: {  	v3 =	vand.u32 $0x7, v3;
	v4 =	vand.u32 $0xFFFFFF80, v62  }
0x120: {  	v3 =	vor.u32 v3, v4  }
0x121: {  	v4 =	vperm.xlane v3, v0;
	_ =	sdelay $0x1  }
0x122: {  	v4 =	vadd.s32 v1, v4;
	_ =	sdelay $0x4  }
0x123: {  	[tilespmem:s13], [sflag:$0x1] =	stream.indirect_vreg.gather [hbm4b:s3+s2], $0x80, v4, vm0, $0xb8;
	[tilespmem:$0x10080] =	vst v63  }
0x124: {  	_ = 	snop  }
0x125: {  	[tilespmem:s29], [sflag:$0x1] =	stream.indirect_vreg.gather [hbm4b:s4+s2], $0x80, v4, vm0, $0xb8;
	[tilespmem:$0x10080] =	vst v63  }
0x126: {  	_ = 	snop  }
0x127: {  	[tilespmem:s30], [sflag:$0x1] =	stream.indirect_vreg.gather [hbm4b:s5+s2], $0x80, v4, vm0, $0xb8;
	[tilespmem:$0x10080] =	vst v63  }
0x128: {  	_ = 	snop  }
0x129: {  	[tilespmem:s31], [sflag:$0x1] =	stream.indirect_vreg.gather [hbm4b:s6+s2], $0x80, v4, vm0, $0xb8;
	[tilespmem:$0x10080] =	vst v63  }
0x12a: {  	_ = 	snop  }
0x12b: {  	[tilespmem:s0], [sflag:$0x1] =	stream.indirect_vreg.gather [hbm4b:s7+s2], $0x80, v4, vm0, $0xb8;
	[tilespmem:$0x10080] =	vst v63  }
0x12c: {  	v3 =	vperm.xlane v3, v2  }
0x12d: {  	[tilespmem:s1], [sflag:$0x1] =	stream.indirect_vreg.gather [hbm4b:s8+s2], $0x80, v4, vm0, $0xb8;
	[tilespmem:$0x10080] =	vst v63  }
0x12e: {  	v3 =	vadd.s32 v1, v3  }
0x12f: {  	[tilespmem:s14], [sflag:$0x1] =	stream.indirect_vreg.gather [hbm4b:s9+s2], $0x80, v4, vm0, $0xb8;
	[tilespmem:$0x10080] =	vst v63  }
0x130: {  	_ = 	snop  }
0x131: {  	[tilespmem:s15], [sflag:$0x1] =	stream.indirect_vreg.gather [hbm4b:s10+s2], $0x80, v4, vm0, $0xb8;
	[tilespmem:$0x10080] =	vst v63  }
0x132: {  	_ = 	snop  }
0x133: {  	[tilespmem:s16], [sflag:$0x1] =	stream.indirect_vreg.gather [hbm4b:s3+s2], $0x80, v3, vm0, $0xb8;
	[tilespmem:$0x10080] =	vst v63  }
0x134: {  	_ = 	snop  }
0x135: {  	[tilespmem:s17], [sflag:$0x1] =	stream.indirect_vreg.gather [hbm4b:s4+s2], $0x80, v3, vm0, $0xb8;
	[tilespmem:$0x10080] =	vst v63  }
0x136: {  	_ = 	snop  }
0x137: {  	[tilespmem:s18], [sflag:$0x1] =	stream.indirect_vreg.gather [hbm4b:s5+s2], $0x80, v3, vm0, $0xb8;
	[tilespmem:$0x10080] =	vst v63  }
0x138: {  	_ = 	snop  }
0x139: {  	[tilespmem:s19], [sflag:$0x1] =	stream.indirect_vreg.gather [hbm4b:s6+s2], $0x80, v3, vm0, $0xb8;
	[tilespmem:$0x10080] =	vst v63  }
0x13a: {  	_ = 	snop  }
0x13b: {  	[tilespmem:s20], [sflag:$0x1] =	stream.indirect_vreg.gather [hbm4b:s7+s2], $0x80, v3, vm0, $0xb8;
	[tilespmem:$0x10080] =	vst v63  }
0x13c: {  	_ = 	snop  }
0x13d: {  	[tilespmem:s21], [sflag:$0x1] =	stream.indirect_vreg.gather [hbm4b:s8+s2], $0x80, v3, vm0, $0xb8;
	[tilespmem:$0x10080] =	vst v63  }
0x13e: {  	_ = 	snop  }
0x13f: {  	[tilespmem:s22], [sflag:$0x1] =	stream.indirect_vreg.gather [hbm4b:s9+s2], $0x80, v3, vm0, $0xb8;
	[tilespmem:$0x10080] =	vst v63  }
0x140: {  	_ = 	snop  }
0x141: {  	[tilespmem:s23], [sflag:$0x1] =	stream.indirect_vreg.gather [hbm4b:s10+s2], $0x80, v3, vm0, $0xb8;
	[tilespmem:$0x10080] =	vst v63  }
0x142: {  	v3 =	vld [tilespmem:$0x10];
	_ =	sdelay $0x4  }
0x143: {  	v63 =	vshll.u32 v3, $0x4  }
0x144: {  	v3 =	vand.u32 $0x7, v3;
	v4 =	vand.u32 $0xFFFFFF80, v63  }
0x145: {  	v3 =	vor.u32 v3, v4  }
0x146: {  	v4 =	vperm.xlane v3, v0;
	_ =	sdelay $0x1  }
0x147: {  	v4 =	vadd.s32 v1, v4;
	_ =	sdelay $0x4  }
0x148: {  	[tilespmem:s24], [sflag:$0x1] =	stream.indirect_vreg.gather [hbm4b:s3+s2], $0x80, v4, vm0, $0xb8;
	[tilespmem:$0x10080] =	vst v63  }
0x149: {  	_ = 	snop  }
0x14a: {  	[tilespmem:s25], [sflag:$0x1] =	stream.indirect_vreg.gather [hbm4b:s4+s2], $0x80, v4, vm0, $0xb8;
	[tilespmem:$0x10080] =	vst v63  }
0x14b: {  	s28 =	simm.s32 $0x9080  }
0x14c: {  	[tilespmem:s28], [sflag:$0x1] =	stream.indirect_vreg.gather [hbm4b:s5+s2], $0x80, v4, vm0, $0xb8;
	[tilespmem:$0x10080] =	vst v63  }
0x14d: {  	s28 =	simm.s32 $0x9880  }
0x14e: {  	[tilespmem:s28], [sflag:$0x1] =	stream.indirect_vreg.gather [hbm4b:s6+s2], $0x80, v4, vm0, $0xb8;
	[tilespmem:$0x10080] =	vst v63  }
0x14f: {  	s28 =	simm.s32 $0xA080  }
0x150: {  	[tilespmem:s28], [sflag:$0x1] =	stream.indirect_vreg.gather [hbm4b:s7+s2], $0x80, v4, vm0, $0xb8;
	[tilespmem:$0x10080] =	vst v63  }
0x151: {  	v3 =	vperm.xlane v3, v2;
	s28 =	simm.s32 $0xA880  }
0x152: {  	[tilespmem:s28], [sflag:$0x1] =	stream.indirect_vreg.gather [hbm4b:s8+s2], $0x80, v4, vm0, $0xb8;
	[tilespmem:$0x10080] =	vst v63  }
0x153: {  	v3 =	vadd.s32 v1, v3;
	s28 =	simm.s32 $0xB080  }
0x154: {  	[tilespmem:s28], [sflag:$0x1] =	stream.indirect_vreg.gather [hbm4b:s9+s2], $0x80, v4, vm0, $0xb8;
	[tilespmem:$0x10080] =	vst v63  }
0x155: {  	s28 =	simm.s32 $0xB880  }
0x156: {  	[tilespmem:s28], [sflag:$0x1] =	stream.indirect_vreg.gather [hbm4b:s10+s2], $0x80, v4, vm0, $0xb8;
	[tilespmem:$0x10080] =	vst v63  }
0x157: {  	s28 =	simm.s32 $0xC080  }
0x158: {  	[tilespmem:s28], [sflag:$0x1] =	stream.indirect_vreg.gather [hbm4b:s3+s2], $0x80, v3, vm0, $0xb8;
	[tilespmem:$0x10080] =	vst v63  }
0x159: {  	s28 =	simm.s32 $0xC880  }
0x15a: {  	[tilespmem:s28], [sflag:$0x1] =	stream.indirect_vreg.gather [hbm4b:s4+s2], $0x80, v3, vm0, $0xb8;
	[tilespmem:$0x10080] =	vst v63  }
0x15b: {  	s28 =	simm.s32 $0xD080  }
0x15c: {  	[tilespmem:s28], [sflag:$0x1] =	stream.indirect_vreg.gather [hbm4b:s5+s2], $0x80, v3, vm0, $0xb8;
	[tilespmem:$0x10080] =	vst v63  }
0x15d: {  	s28 =	simm.s32 $0xD880  }
0x15e: {  	[tilespmem:s28], [sflag:$0x1] =	stream.indirect_vreg.gather [hbm4b:s6+s2], $0x80, v3, vm0, $0xb8;
	[tilespmem:$0x10080] =	vst v63  }
0x15f: {  	s28 =	simm.s32 $0xE080  }
0x160: {  	[tilespmem:s28], [sflag:$0x1] =	stream.indirect_vreg.gather [hbm4b:s7+s2], $0x80, v3, vm0, $0xb8;
	[tilespmem:$0x10080] =	vst v63  }
0x161: {  	s28 =	simm.s32 $0xE880  }
0x162: {  	[tilespmem:s28], [sflag:$0x1] =	stream.indirect_vreg.gather [hbm4b:s8+s2], $0x80, v3, vm0, $0xb8;
	[tilespmem:$0x10080] =	vst v63  }
0x163: {  	s28 =	simm.s32 $0xF080  }
0x164: {  	[tilespmem:s28], [sflag:$0x1] =	stream.indirect_vreg.gather [hbm4b:s9+s2], $0x80, v3, vm0, $0xb8;
	[tilespmem:$0x10080] =	vst v63  }
0x165: {  	s28 =	simm.s32 $0xF880  }
0x166: {  	[tilespmem:s28], [sflag:$0x1] =	stream.indirect_vreg.gather [hbm4b:s10+s2], $0x80, v3, vm0, $0xb8;
	[tilespmem:$0x10080] =	vst v63  }
0x167: {  	_ =	swait.ge [sflag:s26], $0x10000  }
0x168: {  	p0 =	sne.s32 s11, $0x1;
	[sflag:s26] =	ssyncset.done $0x0  }
.Ltmp0:
0x169: {  	s0 =	rddreg [dreg:$0xa];
	[sflag:s26] =	ssyncadd.s32 $0xFFFF0000;
	(pc) =	sbr.rel @p0 .LBB2_1-.Ltmp0, $4  }
0x16a: {  	[hbm4b:s0+s2] =	stream.linear.scatter [tilespmem:s13], [sflag:$0x2], $0x10000, $0x38;
	[tilespmem:$0x10080] =	vst v63  }
0x16b: {  	_ =	swait.ge [sflag:s12], $0x10000  }
0x16c: {  	[sflag:s12] =	ssyncset.done $0x0  }
0x16d: {  	s11 =	sadd.s32 $0xFFFFFFFF, s11;
	[sflag:s12] =	ssyncadd.s32 $0xFFFF0000  }
0x16e: {  	_ =	sfence.sel $0x180000  }
0x16f: {  	[bflag:$0x0] =	sbarrier.arrive $0xFFFF  }
0x170: {  	_ =	strace $0x90000050  }
0x171: {  	s0 =	stileid.u32;
	[bflag:$0x2] =	sbarrier.arrive $0xFFFF  }
0x172: {  	p0 =	sne.s32 s0, $0x0;
	s0 =	rddreg [dreg:$0x2]  }
0x173: {  	s0 =	sadd.s32 @!p0 $0x100000, s0  }
0x174: {  	[sflag:s0] =	ssyncadd.tile.s32 @!p0 $0x1;
	_ =	shalt  }
.Lfunc_end2:
_tile_overlayer_lowered:
.L_overlay_start_2:
0x175: {  	(tag) =	ssettag $0x2  }
0x176: {  	s0 =	rddreg [dreg:$0x0];
	s2 =	stileid.u32  }
0x177: {  	s1 =	rddreg [dreg:$0x1];
	p0 =	sne.s32 s2, $0x0  }
0x178: {  	s3 =	rddreg [dreg:$0x2];
	[bflag:$0x3] =	sbarrier.arrive $0xFFFF;
	s2 =	simm.s32 @!p0 $0x1C02  }
0x179: {  	[timem:s3], [sflag:s2] =	dma.local @!p0 [hbm:s0], s1  }
0x17a: {  	s0 =	simm.s32 @!p0 $0x2  }
0x17b: {  	_ =	swait.ge @!p0 [sflag:s0], s1  }
0x17c: {  	s1 =	ssub.s32 @!p0 $0x0, s1;
	[sflag:s0] =	ssyncset.done @!p0 $0x0  }
0x17d: {  	[sflag:s0] =	ssyncadd.s32 @!p0 s1  }
0x17e: {  	[bflag:$0x3] =	sbarrier.arrive $0xFFFF  }
0x17f: {  	_ =	shalt  }

// kernel: sparse-core-data-format-call.1.cloned.1.call-start
scs
called_computation.1_lowered:
.L_overlay_start_0:
0x0: {  	s2 =	sld [smem:$0x3FD9]  }
0x1: {  	s3 =	sld [smem:$0x3FFE];
	_ =	sdelay $0x1  }
0x2: {  	s1 =	srdreg.scid  }
0x3: {  	s0 =	sand.u32 $0x1, s1  }
0x4: {  	s18 =	sshll.u32 s0, $0xA;
	s2 =	sadd.s32 s3, s2  }
0x5: {  	s2 =	sadd.s32 s2, s18  }
0x6: {  	[smem:$0x3FBA] =	sst s2  }
0x7: {  	_ = 	snop  }
0x8: {  	s2 =	sld [smem:$0x3FD0];
	(tm) =	ssettm $0x1  }
0x9: {  	s19 =	sld [smem:$0x3FFB];
	_ =	sdelay $0x3  }
0xa: {  	_ =	strace s19  }
0xb: {  	s3 =	sld [smem:$0x3FFC];
	_ =	sdelay $0x3  }
0xc: {  	_ =	strace s3  }
0xd: {  	s3 =	sld [smem:$0x3FFD];
	_ =	sdelay $0x3  }
0xe: {  	_ =	strace s3  }
0xf: {  	_ =	strace $0x8FFFFFFF  }
0x10: {  	s20 =	sld [smem:$0x3FDB];
	_ =	sdelay $0x1  }
0x11: {  	s4 =	simm.s32 $_scs_section_size  }
0x12: {  	s5 =	simm.s32 $_size__tile_overlayer_lowered;
	s6 =	simm.s32 $_tile_overlayer_lowered  }
0x13: {  	s23 =	simm.s32 $0x1BFF;
	s22 =	sshll.u32 s6, $0x1;
	s3 =	sadd.s32 s4, s20  }
0x14: {  	s7 =	simm.s32 $0x0;
	s21 =	sshll.u32 s5, $0x1;
	s5 =	sadd.s32 s22, s3  }
0x15: {  	[timem:s7], [sflag:s23] =	dma.local [hbm:s5], s21  }
0x16: {  	_ =	swait.ge [sflag:s23], s21  }
0x17: {  	s4 =	ssub.s32 $0x0, s21;
	[sflag:s23] =	ssyncset.done $0x0  }
0x18: {  	[sflag:s23] =	ssyncadd.s32 s4;
	_ =	sdelay $0x1  }
0x19: {  	s24 =	simm.s32 $0x1B8B  }
0x1a: {  	_ =	swait.ge [sflag:s24], $0x1  }
0x1b: {  	[sflag:s24] =	ssyncset.done $0x0  }
0x1c: {  	s26 =	simm.s32 $0x1B8E;
	s25 =	sld [smem:$0x3FFE];
	[sflag:s24] =	ssyncadd.s32 $0xFFFFFFFF  }
0x1d: {  	s27 =	simm.s32 $execute0_lowered;
	[smem:$0x3FD2] =	sst s26  }
0x1e: {  	s5 =	sshll.u32 s27, $0x1;
	_ =	strace $0x80000046;
	[dreg:$0x1] =	wrdreg $0xFFFFFFFF  }
0x1f: {  	s28 =	simm.s32 $_size_execute0_lowered;
	s3 =	sadd.s32 s3, s5;
	[dreg:$0x0] =	wrdreg $0x0  }
0x20: {  	s5 =	sshll.u32 s28, $0x1;
	[dreg:$0x2] =	wrdreg s3  }
0x21: {  	[dreg:$0x3] =	wrdreg s5  }
0x22: {  	[dreg:$0x4] =	wrdreg $0xC0  }
0x23: {  	_ =	task [dreg:s7], $0x5FFFF  }
0x24: {  	[dreg:$0x1] =	wrdreg $0xFFFFFFFF  }
0x25: {  	[dreg:$0x0] =	wrdreg $0x60  }
0x26: {  	[dreg:$0x2] =	wrdreg s2  }
0x27: {  	[dreg:$0x3] =	wrdreg s25  }
0x28: {  	[dreg:$0x4] =	wrdreg $0x9  }
0x29: {  	_ =	task.clear_ibuf [dreg:s7], $0x5FFFF;
	_ =	strace $0x90000046  }
0x2a: {  	s29 =	simm.s32 $0x9;
	_ =	strace $0x80000048  }
0x2b: {  	_ =	swait.ge [sflag:s29], $0x1  }
0x2c: {  	[sflag:s29] =	ssyncadd.s32 $0xFFFFFFFF  }
0x2d: {  	_ =	strace $0x90000048  }
0x2e: {  	_ =	sfence  }
0x2f: {  	s30 =	sld [smem:$0x0];
	_ =	sdelay $0x2  }
0x30: {  	s31 =	sshll.u32 s1, $0xD;
	s1 =	sshrl.u32 s1, $0x2  }
0x31: {  	s3 =	sand.u32 $0x4000, s31;
	s1 =	sadd.s32 s1, s30  }
0x32: {  	s0 =	sor.u32 s3, s0;
	s1 =	sshll.u32 s1, $0x11  }
0x33: {  	s0 =	sor.u32 s1, s0  }
0x34: {  	s0 =	sadd.s32 $0x8F2B, s0  }
0x35: {  	[sflag:s0] =	ssyncadd.remote.s32 $0x1  }
0x36: {  	_ =	sfence.sel $0xFFFF  }
0x37: {  	[dreg:$0x0] =	wrdreg $0xFFFFFFFF;
	(pc) =	sbr.abs _section_cstart, $3  }
0x38: {  	[dreg:$0x1] =	wrdreg $0xFFFFFFFF  }
0x39: {  	_ =	task.clear_ibuf [dreg:s7], $0x2FFFF;
	_ =	strace $0x9FFFFFFF  }
0x3a: {  	(tm) =	ssettm $0x7FFFFFFF  }
0x3b: {  	_ =	shalt  }
tec
execute0_lowered:
.L_overlay_start_1:
0x0: {  	(tag) =	ssettag $0x1  }
0x1: {  	s0 =	srdreg.scid  }
0x2: {  	s1 =	sshll.u32 s0, $0x4  }
0x3: {  	s3 =	rddreg [dreg:$0x0];
	s0 =	stileid.u32;
	s1 =	sand.u32 $0x10, s1  }
0x4: {  	s4 =	rddreg [dreg:$0x1];
	s1 =	sor.u32 s0, s1  }
0x5: {  	s6 =	simm.s32 $0x1;
	s31 =	simm.s32 $0x2;
	s2 =	sshll.u32 s1, $0x7  }
0x6: {  	s13 =	simm.s32 $0x0;
	s8 =	simm.s32 $0x8000;
	s5 =	ssub.s32 $0x1000, s2  }
0x7: {  	s12 =	simm.s32 $0x0;
	s9 =	simm.s32 $0x0;
	s30 =	sand.u32 $0xF80, s5  }
.Ltmp0:
0x8: {  	s11 =	simm.s32 $0x0;
	p0 =	sne.s32 s30, $0x0;
	(pc) =	sbr.rel .LBB1_1-.Ltmp0, $4  }
0x9: {  	s1 =	rddreg [dreg:$0x2];
	s7 =	sshrl.u32 s5, $0xC;
	s6 =	simm.s32 @!p0 $0x0  }
0xa: {  	_ =	strace $0x80000047;
	s5 =	simm.s32 $0x1;
	s6 =	sadd.s32 s6, s7  }
0xb: {  	s10 =	smov.u32 s2;
	[sflag:s5] =	ssyncpa.u1 $0x0;
	s6 =	sshll.u32 s6, $0x4  }
0xc: {  	[sflag:s31] =	ssyncpa.u1 $0x0;
	p0 =	por $0x0, $0x0;
	s7 =	sor.u32 $0x1, s6  }
.LBB1_4:
0xd: {  	v5 =	vld [tilespmem:s16+$0xFFFFFFD0]  }
0xe: {  	[tilespmem:s17+$0x2040 ss:$0x81] =	vst.msk $0xffff, v1;
	v58 =	vld [tilespmem:s16+$0xFFFFFFE0]  }
0xf: {  	[tilespmem:s17+$0x2850 ss:$0x81] =	vst.msk $0xffff, v2;
	v59 =	vld [tilespmem:s16+$0xFFFFFFF0]  }
0x10: {  	s18 =	sshra.s32 s18, $0x2;
	[tilespmem:s17+$0x3060 ss:$0x81] =	vst.msk $0xffff, v3;
	v60 =	vld [tilespmem:s16+$0x0]  }
0x11: {  	[tilespmem:s17+$0x0 ss:$0x81] =	vst.msk $0xffff, v0;
	v61 =	vld [tilespmem:s16+$0x10];
	s15 =	sadd.s32 s18, s15  }
0x12: {  	s26 =	sshll.u32 s13, $0xC;
	v62 =	vld [tilespmem:s16+$0x20];
	[tilespmem:s15+$0x3870 ss:$0x81] =	vst.msk $0xffff, v4  }
0x13: {  	s27 =	sand.u32 $0x78, s12;
	s19 =	sshll.u32 s12, $0x3;
	v63 =	vld [tilespmem:s16+$0xFFFFFFC0];
	s29 =	sshll.u32 s13, $0x7;
	[tilespmem:s15+$0x810 ss:$0x81] =	vst.msk $0xffff, v5  }
0x14: {  	s17 =	sand.u32 $0x7F8000, s26;
	s28 =	sand.u32 $0x7FFC00, s19;
	s19 =	sand.u32 $0xC00, s19;
	[tilespmem:s15+$0x1020 ss:$0x81] =	vst.msk $0xffff, v58  }
0x15: {  	s13 =	sand.u32 $0x380, s29;
	s16 =	sadd.s32 s28, s17;
	s30 =	sor.u32 s27, s19;
	[tilespmem:s15+$0x1830 ss:$0x81] =	vst.msk $0xffff, v59  }
0x16: {  	s16 =	sand.u32 $0x7FF000, s16;
	s13 =	sor.u32 s13, s30;
	[tilespmem:s15+$0x2040 ss:$0x81] =	vst.msk $0xffff, v60  }
0x17: {  	s31 =	sand.u32 $0x7, s12;
	s13 =	sor.u32 s16, s13;
	[tilespmem:s15+$0x2850 ss:$0x81] =	vst.msk $0xffff, v61  }
0x18: {  	s12 =	sshll.u32 s31, $0x12;
	[tilespmem:s15+$0x3060 ss:$0x81] =	vst.msk $0xffff, v62;
	s13 =	sshrl.u32 s13, $0x3  }
0x19: {  	s12 =	sor.u32 $0x400, s12;
	[tilespmem:s15+$0x0 ss:$0x81] =	vst.msk $0xffff, v63;
	s13 =	sadd.s32 s4, s13  }
0x1a: {  	[hbm4b:s13+s12] =	stream.strided.scatter [tilespmem:s14], [sflag:$0x2], $0x4000, s8, s12, $0x20;
	[tilespmem:$0x10100] =	vst v63  }
.LBB1_5:
0x1b: {  	s14 =	sadd.s32 $0x80, s9  }
0x1c: {  	s12 =	sadd.s32 $0x1000, s10;
	s16 =	smov.u32 s10;
	p2 =	sgt.s32 s14, $0x7FF  }
0x1d: {  	s16 =	smov.u32 @p2 s12  }
0x1e: {  	s14 =	simm.s32 @p2 $0x0;
	p2 =	sgt.s32 s16, $0xFFF  }
0x1f: {  	s16 =	smov.u32 @p2 s2;
	p2 =	sne.s32 s11, s7  }
.Ltmp1:
0x20: {  	p1 =	slt.u32 s11, $0x2;
	(pc) =	sbr.rel @!p2 .LBB1_6-.Ltmp1, $4  }
0x21: {  	s15 =	simm.s32 @!p1 $0x2  }
0x22: {  	s13 =	smov.u32 s9;
	p0 =	por !p0, !p0;
	_ =	swait.ge @!p1 [sflag:s15], $0x4000  }
0x23: {  	s12 =	smov.u32 s10;
	[sflag:s15] =	ssyncset.done @!p1 $0x0;
	s9 =	smov.u32 s14  }
0x24: {  	s11 =	sadd.s32 $0x1, s11;
	[sflag:s15] =	ssyncadd.s32 @!p1 $0xFFFFC000;
	s10 =	smov.u32 s16  }
.LBB1_1:
0x25: {  	p1 =	sge.u32 s11, s6;
	s31 =	sadd.s32 $0xFFFFFFFF, s11  }
0x26: {  	s14 =	sand.u32 @!p1 $0x78, s9;
	s15 =	sshll.u32 @!p1 s10, $0xB;
	s16 =	sshll.u32 @!p1 s10, $0x7  }
0x27: {  	s17 =	sshll.u32 @!p1 s9, $0x3;
	s15 =	sand.u32 @!p1 $0x7FC000, s15;
	s16 =	sand.u32 @!p1 $0x380, s16  }
0x28: {  	s15 =	sadd.s32 @!p1 s15, s17;
	s17 =	sand.u32 @!p1 $0x400, s17;
	s14 =	sor.u32 @!p1 s16, s14  }
0x29: {  	s16 =	sxor.u32 @!p1 $0xFFFFFFFF, s11;
	s15 =	sand.u32 @!p1 $0x7FF800, s15;
	s14 =	sor.u32 @!p1 s17, s14  }
0x2a: {  	s16 =	sshll.u32 @!p1 s16, $0xE;
	s14 =	sor.u32 @!p1 s15, s14;
	s15 =	sand.u32 @!p1 $0x7, s9  }
0x2b: {  	s17 =	simm.s32 @!p1 $0x4000;
	s14 =	sshrl.u32 @!p1 s14, $0x3;
	s15 =	sshll.u32 @!p1 s15, $0x12  }
0x2c: {  	s16 =	sand.u32 @!p1 $0x4000, s16;
	s14 =	sadd.s32 @!p1 s3, s14;
	s15 =	sor.u32 @!p1 $0x400, s15  }
0x2d: {  	[tilespmem:s16], [sflag:$0x1] =	stream.strided.gather @!p1 [hbm4b:s14+s15], $0x4000, s17, s15, $0x38;
	[tilespmem:$0x10100] =	vst v63  }
0x2e: {  	p1 =	sge.u32 s31, s6  }
.Ltmp2:
0x2f: {  	_ = 	snop;
	(pc) =	sbr.rel @p1 .LBB1_5-.Ltmp2, $1  }
0x30: {  	_ =	sdelay $0x3  }
0x31: {  	s14 =	simm.s32 $0x1  }
0x32: {  	_ =	swait.ge [sflag:s5], $0x4000;
	s14 =	simm.s32 @!p0 $0x0  }
0x33: {  	[sflag:s5] =	ssyncset.done $0x0;
	s15 =	sshll.u32 s14, $0xE  }
0x34: {  	[sflag:s5] =	ssyncadd.s32 $0xFFFFC000;
	s16 =	sor.u32 $0x40, s15  }
0x35: {  	s14 =	smul.u32 $0x10200, s14;
	v0 =	vld [tilespmem:s16+$0x30]  }
0x36: {  	v3 =	vld [tilespmem:s16+$0xFFFFFFD0]  }
0x37: {  	s14 =	sshrl.u32 s14, $0x2;
	v4 =	vld [tilespmem:s16+$0xFFFFFFE0]  }
0x38: {  	v5 =	vld [tilespmem:s16+$0xFFFFFFF0];
	s15 =	sor.u32 $0x8000, s14  }
0x39: {  	s31 =	sand.u32 $0x1, s11;
	v1 =	vld [tilespmem:s16+$0x0];
	s17 =	sadd.s32 $0x0, s15  }
0x3a: {  	v2 =	vld [tilespmem:s16+$0x10];
	s14 =	smul.u32 $0x10200, s31;
	[tilespmem:s17+$0x3870 ss:$0x81] =	vst.msk $0xffff, v0  }
0x3b: {  	[tilespmem:s17+$0x810 ss:$0x81] =	vst.msk $0xffff, v3;
	v3 =	vld [tilespmem:s16+$0x20]  }
0x3c: {  	s14 =	sshrl.u32 s14, $0x2;
	v0 =	vld [tilespmem:s16+$0xFFFFFFC0];
	[tilespmem:s17+$0x1020 ss:$0x81] =	vst.msk $0xffff, v4;
	s16 =	sadd.s32 $0x80, s16  }
0x3d: {  	s18 =	simm.s32 $0x4;
	s19 =	simm.s32 $0x8;
	s14 =	sor.u32 $0x8000, s14;
	[tilespmem:s17+$0x1830 ss:$0x81] =	vst.msk $0xffff, v5;
	v4 =	vld [tilespmem:s16+$0x30]  }
.LBB1_3:
0x3e: {  	p1 =	sne.s32 s19, $0x1FC;
	v5 =	vld [tilespmem:s16+$0xFFFFFFD0];
	[tilespmem:s17+$0x2040 ss:$0x81] =	vst.msk $0xffff, v1  }
0x3f: {  	v6 =	vld [tilespmem:s16+$0xFFFFFFE0];
	[tilespmem:s17+$0x2850 ss:$0x81] =	vst.msk $0xffff, v2  }
0x40: {  	s20 =	sshra.s32 s18, $0x2;
	s18 =	smov.u32 s19;
	v7 =	vld [tilespmem:s16+$0xFFFFFFF0];
	[tilespmem:s17+$0x3060 ss:$0x81] =	vst.msk $0xffff, v3  }
.Ltmp3:
0x41: {  	v1 =	vld [tilespmem:s16+$0x0];
	[tilespmem:s17+$0x0 ss:$0x81] =	vst.msk $0xffff, v0;
	s17 =	sadd.s32 s20, s15;
	(pc) =	sbr.rel @p1 .LBB1_3-.Ltmp3, $4  }
0x42: {  	v2 =	vld [tilespmem:s16+$0x10];
	[tilespmem:s17+$0x3870 ss:$0x81] =	vst.msk $0xffff, v4  }
0x43: {  	[tilespmem:s17+$0x810 ss:$0x81] =	vst.msk $0xffff, v5;
	v3 =	vld [tilespmem:s16+$0x20]  }
0x44: {  	v0 =	vld [tilespmem:s16+$0xFFFFFFC0];
	[tilespmem:s17+$0x1020 ss:$0x81] =	vst.msk $0xffff, v6;
	s16 =	sadd.s32 $0x80, s16  }
0x45: {  	s19 =	sadd.s32 $0x4, s19;
	v4 =	vld [tilespmem:s16+$0x30];
	[tilespmem:s17+$0x1830 ss:$0x81] =	vst.msk $0xffff, v7  }
.Ltmp4:
0x46: {  	_ = 	snop;
	(pc) =	sbr.rel .LBB1_4-.Ltmp4, $1  }
0x47: {  	_ =	sdelay $0x3  }
.LBB1_6:
0x48: {  	_ =	sfence.sel $0x180000  }
0x49: {  	s2 =	simm.s32 $0x1;
	[bflag:$0x0] =	sbarrier.arrive $0xFFFF  }
0x4a: {  	s31 =	simm.s32 $0x2;
	[sflag:s2] =	ssyncpa.u1 $0x1  }
0x4b: {  	[sflag:s31] =	ssyncpa.u1 $0x1  }
0x4c: {  	p0 =	sne.s32 s0, $0x0;
	_ =	strace $0x90000047  }
0x4d: {  	s0 =	sadd.s32 @!p0 $0x100000, s1;
	[bflag:$0x2] =	sbarrier.arrive $0xFFFF  }
0x4e: {  	[sflag:s0] =	ssyncadd.tile.s32 @!p0 $0x1;
	_ =	shalt  }
.Lfunc_end1:
_tile_overlayer_lowered:
.L_overlay_start_2:
0x4f: {  	(tag) =	ssettag $0x2  }
0x50: {  	s0 =	rddreg [dreg:$0x0];
	s2 =	stileid.u32  }
0x51: {  	s1 =	rddreg [dreg:$0x1];
	p0 =	sne.s32 s2, $0x0  }
0x52: {  	s3 =	rddreg [dreg:$0x2];
	[bflag:$0x3] =	sbarrier.arrive $0xFFFF;
	s2 =	simm.s32 @!p0 $0x1C01  }
0x53: {  	[timem:s3], [sflag:s2] =	dma.local @!p0 [hbm:s0], s1  }
0x54: {  	s0 =	simm.s32 @!p0 $0x1  }
0x55: {  	_ =	swait.ge @!p0 [sflag:s0], s1  }
0x56: {  	s1 =	ssub.s32 @!p0 $0x0, s1;
	[sflag:s0] =	ssyncset.done @!p0 $0x0  }
0x57: {  	[sflag:s0] =	ssyncadd.s32 @!p0 s1  }
0x58: {  	[bflag:$0x3] =	sbarrier.arrive $0xFFFF  }
0x59: {  	_ =	shalt  }

// kernel: sparse-core-data-format-call.cloned.1.call-start
scs
called_computation_lowered:
.L_overlay_start_0:
0x0: {  	s2 =	sld [smem:$0x3FD9]  }
0x1: {  	s3 =	sld [smem:$0x3FFE];
	_ =	sdelay $0x1  }
0x2: {  	s1 =	srdreg.scid  }
0x3: {  	s0 =	sand.u32 $0x1, s1  }
0x4: {  	s18 =	sshll.u32 s0, $0xA;
	s2 =	sadd.s32 s3, s2  }
0x5: {  	s2 =	sadd.s32 s2, s18  }
0x6: {  	[smem:$0x3FBA] =	sst s2  }
0x7: {  	_ = 	snop  }
0x8: {  	s2 =	sld [smem:$0x3FD0];
	(tm) =	ssettm $0x1  }
0x9: {  	s19 =	sld [smem:$0x3FFB];
	_ =	sdelay $0x3  }
0xa: {  	_ =	strace s19  }
0xb: {  	s3 =	sld [smem:$0x3FFC];
	_ =	sdelay $0x3  }
0xc: {  	_ =	strace s3  }
0xd: {  	s3 =	sld [smem:$0x3FFD];
	_ =	sdelay $0x3  }
0xe: {  	_ =	strace s3  }
0xf: {  	_ =	strace $0x8FFFFFFF  }
0x10: {  	s20 =	sld [smem:$0x3FDB];
	_ =	sdelay $0x1  }
0x11: {  	s4 =	simm.s32 $_scs_section_size  }
0x12: {  	s5 =	simm.s32 $_size__tile_overlayer_lowered;
	s6 =	simm.s32 $_tile_overlayer_lowered  }
0x13: {  	s23 =	simm.s32 $0x1BFF;
	s22 =	sshll.u32 s6, $0x1;
	s3 =	sadd.s32 s4, s20  }
0x14: {  	s7 =	simm.s32 $0x0;
	s21 =	sshll.u32 s5, $0x1;
	s5 =	sadd.s32 s22, s3  }
0x15: {  	[timem:s7], [sflag:s23] =	dma.local [hbm:s5], s21  }
0x16: {  	_ =	swait.ge [sflag:s23], s21  }
0x17: {  	s4 =	ssub.s32 $0x0, s21;
	[sflag:s23] =	ssyncset.done $0x0  }
0x18: {  	[sflag:s23] =	ssyncadd.s32 s4;
	_ =	sdelay $0x1  }
0x19: {  	s24 =	simm.s32 $0x1B8B  }
0x1a: {  	_ =	swait.ge [sflag:s24], $0x1  }
0x1b: {  	[sflag:s24] =	ssyncset.done $0x0  }
0x1c: {  	s26 =	simm.s32 $0x1B8E;
	s25 =	sld [smem:$0x3FFE];
	[sflag:s24] =	ssyncadd.s32 $0xFFFFFFFF  }
0x1d: {  	s27 =	simm.s32 $execute0_lowered;
	[smem:$0x3FD2] =	sst s26  }
0x1e: {  	s5 =	sshll.u32 s27, $0x1;
	_ =	strace $0x8000004C;
	[dreg:$0x1] =	wrdreg $0xFFFFFFFF  }
0x1f: {  	s28 =	simm.s32 $_size_execute0_lowered;
	s3 =	sadd.s32 s3, s5;
	[dreg:$0x0] =	wrdreg $0x0  }
0x20: {  	s5 =	sshll.u32 s28, $0x1;
	[dreg:$0x2] =	wrdreg s3  }
0x21: {  	[dreg:$0x3] =	wrdreg s5  }
0x22: {  	[dreg:$0x4] =	wrdreg $0xC0  }
0x23: {  	_ =	task [dreg:s7], $0x5FFFF  }
0x24: {  	[dreg:$0x1] =	wrdreg $0xFFFFFFFF  }
0x25: {  	[dreg:$0x0] =	wrdreg $0x60  }
0x26: {  	[dreg:$0x2] =	wrdreg s25  }
0x27: {  	[dreg:$0x3] =	wrdreg s2  }
0x28: {  	[dreg:$0x4] =	wrdreg $0x9  }
0x29: {  	_ =	task.clear_ibuf [dreg:s7], $0x5FFFF;
	_ =	strace $0x9000004C  }
0x2a: {  	s29 =	simm.s32 $0x9;
	_ =	strace $0x8000004E  }
0x2b: {  	_ =	swait.ge [sflag:s29], $0x1  }
0x2c: {  	[sflag:s29] =	ssyncadd.s32 $0xFFFFFFFF  }
0x2d: {  	_ =	strace $0x9000004E  }
0x2e: {  	_ =	sfence  }
0x2f: {  	s30 =	sld [smem:$0x0];
	_ =	sdelay $0x2  }
0x30: {  	s31 =	sshll.u32 s1, $0xD;
	s1 =	sshrl.u32 s1, $0x2  }
0x31: {  	s3 =	sand.u32 $0x4000, s31;
	s1 =	sadd.s32 s1, s30  }
0x32: {  	s0 =	sor.u32 s3, s0;
	s1 =	sshll.u32 s1, $0x11  }
0x33: {  	s0 =	sor.u32 s1, s0  }
0x34: {  	s0 =	sadd.s32 $0x8F2B, s0  }
0x35: {  	[sflag:s0] =	ssyncadd.remote.s32 $0x1  }
0x36: {  	_ =	sfence.sel $0xFFFF  }
0x37: {  	[dreg:$0x0] =	wrdreg $0xFFFFFFFF;
	(pc) =	sbr.abs _section_cstart, $3  }
0x38: {  	[dreg:$0x1] =	wrdreg $0xFFFFFFFF  }
0x39: {  	_ =	task.clear_ibuf [dreg:s7], $0x2FFFF;
	_ =	strace $0x9FFFFFFF  }
0x3a: {  	(tm) =	ssettm $0x7FFFFFFF  }
0x3b: {  	_ =	shalt  }
tec
execute0_lowered:
.L_overlay_start_1:
0x0: {  	(tag) =	ssettag $0x1  }
0x1: {  	s2 =	rddreg [dreg:$0x0]  }
0x2: {  	s3 =	rddreg [dreg:$0x1];
	s1 =	stileid.u32  }
0x3: {  	s5 =	srdreg.scid;
	s0 =	rddreg [dreg:$0x2]  }
0x4: {  	_ =	strace $0x8000004D;
	s9 =	simm.s32 $0x1;
	s31 =	simm.s32 $0x2  }
0x5: {  	s14 =	simm.s32 $0x0;
	s4 =	sshll.u32 s1, $0x7;
	s5 =	sshll.u32 s5, $0x7  }
0x6: {  	s13 =	simm.s32 $0x0;
	s5 =	sand.u32 $0x80, s5;
	s6 =	ssub.s32 $0x800, s4  }
0x7: {  	s7 =	sshrl.u32 s6, $0xB;
	s6 =	sand.u32 $0x780, s6;
	s8 =	ssub.s32 $0x1000, s5  }
0x8: {  	p0 =	sne.s32 s6, $0x0;
	s30 =	sshrl.u32 s8, $0x7;
	s8 =	sshrl.u32 s8, $0x8  }
.Ltmp0:
0x9: {  	s9 =	simm.s32 @!p0 $0x0;
	s10 =	sand.u32 $0x1, s30;
	(pc) =	sbr.rel .LBB1_1-.Ltmp0, $4  }
0xa: {  	s6 =	simm.s32 $0x1;
	s7 =	sadd.s32 s9, s7;
	s8 =	sadd.s32 s8, s10  }
0xb: {  	s12 =	simm.s32 $0x0;
	[sflag:s6] =	ssyncpa.u1 $0x0;
	s7 =	smul.u32 s7, s8  }
0xc: {  	s11 =	smov.u32 s4;
	p0 =	por $0x0, $0x0;
	[sflag:s31] =	ssyncpa.u1 $0x0  }
0xd: {  	s9 =	simm.s32 $0x4000;
	s10 =	smov.u32 s5;
	s8 =	sadd.s32 $0x1, s7  }
.LBB1_4:
0xe: {  	v5 =	vld [tilespmem:s17+$0xFFFFFFD0]  }
0xf: {  	[tilespmem:s18+$0x2040 ss:$0x81] =	vst.msk $0xffff, v1;
	v58 =	vld [tilespmem:s17+$0xFFFFFFE0]  }
0x10: {  	[tilespmem:s18+$0x2850 ss:$0x81] =	vst.msk $0xffff, v2;
	v59 =	vld [tilespmem:s17+$0xFFFFFFF0]  }
0x11: {  	s19 =	sshra.s32 s19, $0x2;
	[tilespmem:s18+$0x3060 ss:$0x81] =	vst.msk $0xffff, v3;
	v60 =	vld [tilespmem:s17+$0x0]  }
0x12: {  	[tilespmem:s18+$0x0 ss:$0x81] =	vst.msk $0xffff, v0;
	v61 =	vld [tilespmem:s17+$0x10];
	s16 =	sadd.s32 s19, s16  }
0x13: {  	s26 =	sshll.u32 s14, $0xB;
	v62 =	vld [tilespmem:s17+$0x20];
	[tilespmem:s16+$0x3870 ss:$0x81] =	vst.msk $0xffff, v4  }
0x14: {  	s27 =	sand.u32 $0x78, s13;
	s20 =	sshll.u32 s13, $0x3;
	v63 =	vld [tilespmem:s17+$0xFFFFFFC0];
	s29 =	sshll.u32 s14, $0x7;
	[tilespmem:s16+$0x810 ss:$0x81] =	vst.msk $0xffff, v5  }
0x15: {  	s18 =	sand.u32 $0x7FC000, s26;
	s28 =	sand.u32 $0x7FFC00, s20;
	s20 =	sand.u32 $0x400, s20;
	[tilespmem:s16+$0x1020 ss:$0x81] =	vst.msk $0xffff, v58  }
0x16: {  	s14 =	sand.u32 $0x380, s29;
	s17 =	sadd.s32 s28, s18;
	s30 =	sor.u32 s27, s20;
	[tilespmem:s16+$0x1830 ss:$0x81] =	vst.msk $0xffff, v59  }
0x17: {  	s17 =	sand.u32 $0x7FF800, s17;
	s14 =	sor.u32 s14, s30;
	[tilespmem:s16+$0x2040 ss:$0x81] =	vst.msk $0xffff, v60  }
0x18: {  	s31 =	sand.u32 $0x7, s13;
	s14 =	sor.u32 s17, s14;
	[tilespmem:s16+$0x2850 ss:$0x81] =	vst.msk $0xffff, v61  }
0x19: {  	s13 =	sshll.u32 s31, $0x12;
	[tilespmem:s16+$0x3060 ss:$0x81] =	vst.msk $0xffff, v62;
	s14 =	sshrl.u32 s14, $0x3  }
0x1a: {  	s13 =	sor.u32 $0x400, s13;
	[tilespmem:s16+$0x0 ss:$0x81] =	vst.msk $0xffff, v63;
	s14 =	sadd.s32 s3, s14  }
0x1b: {  	[hbm4b:s14+s13] =	stream.strided.scatter [tilespmem:s15], [sflag:$0x2], $0x4000, s9, s13, $0x20;
	[tilespmem:$0x10100] =	vst v63  }
.LBB1_5:
0x1c: {  	s15 =	sadd.s32 $0x100, s10  }
0x1d: {  	s13 =	sadd.s32 $0x800, s11;
	s17 =	smov.u32 s11;
	p2 =	sgt.s32 s15, $0xFFF  }
0x1e: {  	s17 =	smov.u32 @p2 s13  }
0x1f: {  	s15 =	smov.u32 @p2 s5;
	p2 =	sgt.s32 s17, $0x7FF  }
0x20: {  	s17 =	smov.u32 @p2 s4;
	p2 =	sne.s32 s12, s8  }
.Ltmp1:
0x21: {  	p1 =	slt.u32 s12, $0x2;
	(pc) =	sbr.rel @!p2 .LBB1_6-.Ltmp1, $4  }
0x22: {  	s16 =	simm.s32 @!p1 $0x2  }
0x23: {  	s14 =	smov.u32 s10;
	p0 =	por !p0, !p0;
	_ =	swait.ge @!p1 [sflag:s16], $0x4000  }
0x24: {  	s13 =	smov.u32 s11;
	[sflag:s16] =	ssyncset.done @!p1 $0x0;
	s10 =	smov.u32 s15  }
0x25: {  	s12 =	sadd.s32 $0x1, s12;
	[sflag:s16] =	ssyncadd.s32 @!p1 $0xFFFFC000;
	s11 =	smov.u32 s17  }
.LBB1_1:
0x26: {  	p1 =	sge.u32 s12, s7;
	s31 =	sadd.s32 $0xFFFFFFFF, s12  }
0x27: {  	s15 =	sand.u32 @!p1 $0x78, s10;
	s16 =	sshll.u32 @!p1 s11, $0xC;
	s17 =	sshll.u32 @!p1 s11, $0x7  }
0x28: {  	s18 =	sshll.u32 @!p1 s10, $0x3;
	s16 =	sand.u32 @!p1 $0x7F8000, s16;
	s17 =	sand.u32 @!p1 $0x380, s17  }
0x29: {  	s16 =	sadd.s32 @!p1 s16, s18;
	s18 =	sand.u32 @!p1 $0xC00, s18;
	s15 =	sor.u32 @!p1 s17, s15  }
0x2a: {  	s17 =	sxor.u32 @!p1 $0xFFFFFFFF, s12;
	s16 =	sand.u32 @!p1 $0x7FF000, s16;
	s15 =	sor.u32 @!p1 s18, s15  }
0x2b: {  	s17 =	sshll.u32 @!p1 s17, $0xE;
	s15 =	sor.u32 @!p1 s16, s15;
	s16 =	sand.u32 @!p1 $0x7, s10  }
0x2c: {  	s18 =	simm.s32 @!p1 $0x8000;
	s15 =	sshrl.u32 @!p1 s15, $0x3;
	s16 =	sshll.u32 @!p1 s16, $0x12  }
0x2d: {  	s17 =	sand.u32 @!p1 $0x4000, s17;
	s15 =	sadd.s32 @!p1 s2, s15;
	s16 =	sor.u32 @!p1 $0x400, s16  }
0x2e: {  	[tilespmem:s17], [sflag:$0x1] =	stream.strided.gather @!p1 [hbm4b:s15+s16], $0x4000, s18, s16, $0x38;
	[tilespmem:$0x10100] =	vst v63  }
0x2f: {  	p1 =	sge.u32 s31, s7  }
.Ltmp2:
0x30: {  	_ = 	snop;
	(pc) =	sbr.rel @p1 .LBB1_5-.Ltmp2, $1  }
0x31: {  	_ =	sdelay $0x3  }
0x32: {  	s15 =	simm.s32 $0x1  }
0x33: {  	_ =	swait.ge [sflag:s6], $0x4000;
	s15 =	simm.s32 @!p0 $0x0  }
0x34: {  	[sflag:s6] =	ssyncset.done $0x0;
	s16 =	sshll.u32 s15, $0xE  }
0x35: {  	[sflag:s6] =	ssyncadd.s32 $0xFFFFC000;
	s17 =	sor.u32 $0x40, s16  }
0x36: {  	s15 =	smul.u32 $0x10200, s15;
	v0 =	vld [tilespmem:s17+$0x30]  }
0x37: {  	v3 =	vld [tilespmem:s17+$0xFFFFFFD0]  }
0x38: {  	s15 =	sshrl.u32 s15, $0x2;
	v4 =	vld [tilespmem:s17+$0xFFFFFFE0]  }
0x39: {  	v5 =	vld [tilespmem:s17+$0xFFFFFFF0];
	s16 =	sor.u32 $0x8000, s15  }
0x3a: {  	s31 =	sand.u32 $0x1, s12;
	v1 =	vld [tilespmem:s17+$0x0];
	s18 =	sadd.s32 $0x0, s16  }
0x3b: {  	v2 =	vld [tilespmem:s17+$0x10];
	s15 =	smul.u32 $0x10200, s31;
	[tilespmem:s18+$0x3870 ss:$0x81] =	vst.msk $0xffff, v0  }
0x3c: {  	[tilespmem:s18+$0x810 ss:$0x81] =	vst.msk $0xffff, v3;
	v3 =	vld [tilespmem:s17+$0x20]  }
0x3d: {  	s15 =	sshrl.u32 s15, $0x2;
	v0 =	vld [tilespmem:s17+$0xFFFFFFC0];
	[tilespmem:s18+$0x1020 ss:$0x81] =	vst.msk $0xffff, v4;
	s17 =	sadd.s32 $0x80, s17  }
0x3e: {  	s19 =	simm.s32 $0x4;
	s20 =	simm.s32 $0x8;
	s15 =	sor.u32 $0x8000, s15;
	[tilespmem:s18+$0x1830 ss:$0x81] =	vst.msk $0xffff, v5;
	v4 =	vld [tilespmem:s17+$0x30]  }
.LBB1_3:
0x3f: {  	p1 =	sne.s32 s20, $0x1FC;
	v5 =	vld [tilespmem:s17+$0xFFFFFFD0];
	[tilespmem:s18+$0x2040 ss:$0x81] =	vst.msk $0xffff, v1  }
0x40: {  	v6 =	vld [tilespmem:s17+$0xFFFFFFE0];
	[tilespmem:s18+$0x2850 ss:$0x81] =	vst.msk $0xffff, v2  }
0x41: {  	s21 =	sshra.s32 s19, $0x2;
	s19 =	smov.u32 s20;
	v7 =	vld [tilespmem:s17+$0xFFFFFFF0];
	[tilespmem:s18+$0x3060 ss:$0x81] =	vst.msk $0xffff, v3  }
.Ltmp3:
0x42: {  	v1 =	vld [tilespmem:s17+$0x0];
	[tilespmem:s18+$0x0 ss:$0x81] =	vst.msk $0xffff, v0;
	s18 =	sadd.s32 s21, s16;
	(pc) =	sbr.rel @p1 .LBB1_3-.Ltmp3, $4  }
0x43: {  	v2 =	vld [tilespmem:s17+$0x10];
	[tilespmem:s18+$0x3870 ss:$0x81] =	vst.msk $0xffff, v4  }
0x44: {  	[tilespmem:s18+$0x810 ss:$0x81] =	vst.msk $0xffff, v5;
	v3 =	vld [tilespmem:s17+$0x20]  }
0x45: {  	v0 =	vld [tilespmem:s17+$0xFFFFFFC0];
	[tilespmem:s18+$0x1020 ss:$0x81] =	vst.msk $0xffff, v6;
	s17 =	sadd.s32 $0x80, s17  }
0x46: {  	s20 =	sadd.s32 $0x4, s20;
	v4 =	vld [tilespmem:s17+$0x30];
	[tilespmem:s18+$0x1830 ss:$0x81] =	vst.msk $0xffff, v7  }
.Ltmp4:
0x47: {  	_ = 	snop;
	(pc) =	sbr.rel .LBB1_4-.Ltmp4, $1  }
0x48: {  	_ =	sdelay $0x3  }
.LBB1_6:
0x49: {  	_ =	sfence.sel $0x180000  }
0x4a: {  	s2 =	simm.s32 $0x1;
	[bflag:$0x0] =	sbarrier.arrive $0xFFFF  }
0x4b: {  	s31 =	simm.s32 $0x2;
	[sflag:s2] =	ssyncpa.u1 $0x1  }
0x4c: {  	[sflag:s31] =	ssyncpa.u1 $0x1  }
0x4d: {  	p0 =	sne.s32 s1, $0x0;
	_ =	strace $0x9000004D  }
0x4e: {  	s0 =	sadd.s32 @!p0 $0x100000, s0;
	[bflag:$0x2] =	sbarrier.arrive $0xFFFF  }
0x4f: {  	[sflag:s0] =	ssyncadd.tile.s32 @!p0 $0x1;
	_ =	shalt  }
.Lfunc_end1:
_tile_overlayer_lowered:
.L_overlay_start_2:
0x50: {  	(tag) =	ssettag $0x2  }
0x51: {  	s0 =	rddreg [dreg:$0x0];
	s2 =	stileid.u32  }
0x52: {  	s1 =	rddreg [dreg:$0x1];
	p0 =	sne.s32 s2, $0x0  }
0x53: {  	s3 =	rddreg [dreg:$0x2];
	[bflag:$0x3] =	sbarrier.arrive $0xFFFF;
	s2 =	simm.s32 @!p0 $0x1C01  }
0x54: {  	[timem:s3], [sflag:s2] =	dma.local @!p0 [hbm:s0], s1  }
0x55: {  	s0 =	simm.s32 @!p0 $0x1  }
0x56: {  	_ =	swait.ge @!p0 [sflag:s0], s1  }
0x57: {  	s1 =	ssub.s32 @!p0 $0x0, s1;
	[sflag:s0] =	ssyncset.done @!p0 $0x0  }
0x58: {  	[sflag:s0] =	ssyncadd.s32 @!p0 s1  }
0x59: {  	[bflag:$0x3] =	sbarrier.arrive $0xFFFF  }
0x5a: {  	_ =	shalt  }

</sc_bundles>
